<compile_context>
chip_gen: v7x
topology: tpu7x:2x2x1
jax: 0.10.2.dev20260603
libtpu: 0.0.44.dev20260713+nightly
codegen_flags: <defaults>
</compile_context>

<pallas_src>
import dataclasses
import functools

import jax
import jax.numpy as jnp
from jax import lax
from jax.experimental import pallas as pl
from jax.experimental.pallas import tpu as pltpu
from jax.experimental.pallas import tpu_sc as plsc

_N = 10000
_E = 320000
_D = 128
_NC = 2
_NS = 16
_NW = _NC * _NS
_L = 16

_NP = 10240
_EP = 327680
_EW = _EP // 128
_WPW = _EW // _NW
_WPT = _EW // _NS
_RPT = _NP // _NS

_mesh = plsc.VectorSubcoreMesh(core_axis_name="c", subcore_axis_name="s")

_sc_params = pltpu.CompilerParams()
if "needs_layout_passes" in pltpu.CompilerParams.__dataclass_fields__:
    _sc_params = dataclasses.replace(_sc_params, needs_layout_passes=False)


def _z16():
    return jnp.zeros((_L,), jnp.float32)


def _norm_body(row2, col2, ea2, norm2,
               deg_sp, dinv_sp, colv, eav, zv, degv, dinvv, dinvf,
               rowc, colc, eac, normc):
    c = lax.axis_index("c")
    s = lax.axis_index("s")
    wid = s * _NC + c

    @pl.loop(0, _RPT // _L)
    def _p1(i):
        zv[pl.ds(i * _L, _L)] = _z16()

    pltpu.sync_copy(zv, deg_sp.at[pl.ds(s * _RPT, _RPT)])
    plsc.subcore_barrier()

    pltpu.sync_copy(col2.at[pl.ds(s * _WPT, _WPT)], colv)
    pltpu.sync_copy(ea2.at[pl.ds(s * _WPT, _WPT)], eav)

    @pl.loop(0, _WPT)
    def _p2(w):
        pltpu.sync_copy(eav.at[w], deg_sp.at[colv.at[w]], add=True)

    plsc.subcore_barrier()

    pltpu.sync_copy(deg_sp.at[pl.ds(s * _RPT, _RPT)], degv)

    @pl.loop(0, _RPT // _L)
    def _p3(i):
        sl = pl.ds(i * _L, _L)
        d = degv[sl]
        bits = plsc.bitcast(d, jnp.int32)
        y = plsc.bitcast(jnp.int32(0x5F3759DF) - (bits >> 1), jnp.float32)
        for _ in range(3):
            y = y * (1.5 - 0.5 * d * y * y)
        dinvv[sl] = jnp.where(d > 0.0, y, 0.0)

    pltpu.sync_copy(dinvv, dinv_sp.at[pl.ds(s * _RPT, _RPT)])
    plsc.subcore_barrier()

    pltpu.sync_copy(dinv_sp, dinvf)
    base = wid * _WPW
    pltpu.sync_copy(row2.at[pl.ds(base, _WPW)], rowc)
    pltpu.sync_copy(col2.at[pl.ds(base, _WPW)], colc)
    pltpu.sync_copy(ea2.at[pl.ds(base, _WPW)], eac)

    @pl.loop(0, _WPW)
    def _p4(w):
        for j in range(8):
            sl = pl.ds(j * _L, _L)
            dr = plsc.load_gather(dinvf, [rowc[w, sl]])
            dc = plsc.load_gather(dinvf, [colc[w, sl]])
            normc[w, sl] = dr * eac[w, sl] * dc

    pltpu.sync_copy(normc, norm2.at[pl.ds(base, _WPW)])


@jax.jit
def _norm_sc(row2, col2, ea2):
    f = pl.kernel(
        _norm_body,
        out_type=jax.ShapeDtypeStruct((_EW, 128), jnp.float32),
        mesh=_mesh,
        compiler_params=_sc_params,
        scratch_types=[
            pltpu.VMEM_SHARED((_NP,), jnp.float32),
            pltpu.VMEM_SHARED((_NP,), jnp.float32),
            pltpu.VMEM((_WPT, 128), jnp.int32),
            pltpu.VMEM((_WPT, 128), jnp.float32),
            pltpu.VMEM((_RPT,), jnp.float32),
            pltpu.VMEM((_RPT,), jnp.float32),
            pltpu.VMEM((_RPT,), jnp.float32),
            pltpu.VMEM((_NP,), jnp.float32),
            pltpu.VMEM((_WPW, 128), jnp.int32),
            pltpu.VMEM((_WPW, 128), jnp.int32),
            pltpu.VMEM((_WPW, 128), jnp.float32),
            pltpu.VMEM((_WPW, 128), jnp.float32),
        ],
    )
    return f(row2, col2, ea2)


_WE = 32
_EWP = _EP // _WE
_W64 = _EWP // _NW
_CWIN = 40
_NB = 4
_T_CH = _EWP // _NS // _CWIN
_F_CH = 15


def _prop_body(h, row2, col2, norm2, out0, out1,
               acc_sp, rowc, colc, normc, msg0, msg1, msg2, msg3,
               gsem0, gsem1, gsem2, gsem3, ssem0, ssem1, ssem2, ssem3, zsem):
    c = lax.axis_index("c")
    s = lax.axis_index("s")
    wid = s * _NC + c
    msg = (msg0, msg1, msg2, msg3)
    gsem = (gsem0, gsem1, gsem2, gsem3)
    ssem = (ssem0, ssem1, ssem2, ssem3)

    @pl.loop(0, _WE)
    def _pz(i):
        for j in range(8):
            msg0[i, pl.ds(j * _L, _L)] = _z16()

    @pl.loop(0, _RPT // _WE)
    def _pz2(i):
        pltpu.async_copy(msg0, acc_sp.at[pl.ds(s * _RPT + i * _WE, _WE)], zsem)

    @pl.loop(0, _RPT // _WE)
    def _pz3(i):
        pltpu.make_async_copy(msg0, acc_sp.at[pl.ds(s * _RPT, _WE)], zsem).wait()

    plsc.subcore_barrier()

    n_chunks = jnp.where(c == 0, _F_CH, _T_CH - _F_CH)
    base = jnp.where(c == 0, s * (_F_CH * _CWIN),
                     _NS * _F_CH * _CWIN + s * ((_T_CH - _F_CH) * _CWIN))

    def scale(w, m):
        @pl.loop(0, _WE)
        def _pe(e):
            nb = plsc.load_gather(
                normc, [jnp.full((_L,), w, jnp.int32),
                        jnp.full((_L,), e, jnp.int32)])
            for j in range(8):
                sl = pl.ds(j * _L, _L)
                m[e, sl] = m[e, sl] * nb

    def _pc(ci, carry):
        cb = base + ci * _CWIN
        pltpu.sync_copy(row2.at[pl.ds(cb, _CWIN)], rowc)
        pltpu.sync_copy(col2.at[pl.ds(cb, _CWIN)], colc)
        pltpu.sync_copy(norm2.at[pl.ds(cb, _CWIN)], normc)
        for b in range(_NB - 1):
            pltpu.async_copy(h.at[rowc.at[b]], msg[b], gsem[b])

        @pl.loop(0, _CWIN // _NB)
        def _pk(g):
            for b in range(_NB):
                w = g * _NB + b
                pltpu.make_async_copy(h.at[rowc.at[w]], msg[b], gsem[b]).wait()
                scale(w, msg[b])
                pltpu.async_copy(msg[b], acc_sp.at[colc.at[w]], ssem[b],
                                 add=True)
                bp = (b - 1) % _NB
                wn = jnp.minimum(w + _NB - 1, _CWIN - 1)

                def _issue():
                    pltpu.async_copy(h.at[rowc.at[wn]], msg[bp], gsem[bp])

                def _drain_then_issue():
                    pltpu.make_async_copy(
                        msg[bp], acc_sp.at[colc.at[w]], ssem[bp]).wait()
                    _issue()

                if b == 0:
                    @pl.when(g > 0)
                    def _g0():
                        _drain_then_issue()

                    @pl.when(g == 0)
                    def _g0first():
                        _issue()
                else:
                    _drain_then_issue()

        pltpu.make_async_copy(msg[_NB - 1],
                              acc_sp.at[colc.at[0]], ssem[_NB - 1]).wait()
        for b in range(_NB - 1):
            pltpu.make_async_copy(h.at[rowc.at[0]], msg[b], gsem[b]).wait()
        return carry

    lax.fori_loop(0, n_chunks, _pc, 0)
    plsc.subcore_barrier()

    @pl.when(c == 0)
    def _w0():
        pltpu.sync_copy(acc_sp.at[pl.ds(s * _RPT, _RPT)],
                        out0.at[pl.ds(s * _RPT, _RPT)])

    @pl.when(c == 1)
    def _w1():
        pltpu.sync_copy(acc_sp.at[pl.ds(s * _RPT, _RPT)],
                        out1.at[pl.ds(s * _RPT, _RPT)])


@jax.jit
def _prop_sc(h, row2, col2, norm2):
    f = pl.kernel(
        _prop_body,
        out_type=[jax.ShapeDtypeStruct((_NP, _D), jnp.float32),
                  jax.ShapeDtypeStruct((_NP, _D), jnp.float32)],
        mesh=_mesh,
        compiler_params=_sc_params,
        scratch_types=[
            pltpu.VMEM_SHARED((_NP, _D), jnp.float32),
            pltpu.VMEM((_CWIN, _WE), jnp.int32),
            pltpu.VMEM((_CWIN, _WE), jnp.int32),
            pltpu.VMEM((_CWIN, _WE), jnp.float32),
            pltpu.VMEM((_WE, _D), jnp.float32),
            pltpu.VMEM((_WE, _D), jnp.float32),
            pltpu.VMEM((_WE, _D), jnp.float32),
            pltpu.VMEM((_WE, _D), jnp.float32),
            pltpu.SemaphoreType.DMA,
            pltpu.SemaphoreType.DMA,
            pltpu.SemaphoreType.DMA,
            pltpu.SemaphoreType.DMA,
            pltpu.SemaphoreType.DMA,
            pltpu.SemaphoreType.DMA,
            pltpu.SemaphoreType.DMA,
            pltpu.SemaphoreType.DMA,
            pltpu.SemaphoreType.DMA,
        ],
    )
    return f(h, row2, col2, norm2)


def _combine_body(a_ref, b_ref, o_ref):
    o_ref[...] = a_ref[...] + b_ref[...]


_combine = pl.pallas_call(
    _combine_body,
    grid=(8,),
    in_specs=[pl.BlockSpec((_NP // 8, _D), lambda i: (i, 0))] * 2,
    out_specs=pl.BlockSpec((_NP // 8, _D), lambda i: (i, 0)),
    out_shape=jax.ShapeDtypeStruct((_NP, _D), jnp.float32),
)


def _layer_body(x_ref, h1_ref, h2_ref, p0_ref, p1_ref, w_ref, b_ref, o_ref):
    acc = jnp.dot(x_ref[...], w_ref[0], preferred_element_type=jnp.float32)
    acc = acc + jnp.dot(h1_ref[...], w_ref[1], preferred_element_type=jnp.float32)
    acc = acc + jnp.dot(h2_ref[...], w_ref[2], preferred_element_type=jnp.float32)
    h3 = p0_ref[...] + p1_ref[...]
    acc = acc + jnp.dot(h3, w_ref[3], preferred_element_type=jnp.float32)
    acc = acc + b_ref[...]
    o_ref[...] = jnp.where(acc > 0, acc, 0.01 * acc)


_layer = pl.pallas_call(
    _layer_body,
    grid=(8,),
    in_specs=[pl.BlockSpec((_NP // 8, _D), lambda i: (i, 0))] * 5
    + [pl.BlockSpec((4, _D, _D), lambda i: (0, 0, 0)),
       pl.BlockSpec((1, _D), lambda i: (0, 0))],
    out_specs=pl.BlockSpec((_NP // 8, _D), lambda i: (i, 0)),
    out_shape=jax.ShapeDtypeStruct((_NP, _D), jnp.float32),
)


def kernel(y, edge_index, edge_attr, W1, b1, W2):
    row = edge_index[0]
    col = edge_index[1]
    pad = _EP - _E
    rowp = jnp.pad(row, (0, pad))
    colp = jnp.pad(col, (0, pad))
    eap = jnp.pad(edge_attr, (0, pad))
    row2 = rowp.reshape(_EW, 128)
    col2 = colp.reshape(_EW, 128)
    ea2 = eap.reshape(_EW, 128)
    rowb = rowp.reshape(_EWP, _WE)
    colb = colp.reshape(_EWP, _WE)
    x = jnp.pad(y, ((0, _NP - _N), (0, 0)))

    norm2 = _norm_sc(row2, col2, ea2)
    normb = norm2.reshape(_EWP, _WE)
    b1r = b1.reshape(1, _D)
    zb = jnp.zeros((1, _D), jnp.float32)

    for W, b in ((W1, b1r), (W2, zb)):
        p10, p11 = _prop_sc(x, rowb, colb, normb)
        h1 = _combine(p10, p11)
        p20, p21 = _prop_sc(h1, rowb, colb, normb)
        h2 = _combine(p20, p21)
        p30, p31 = _prop_sc(h2, rowb, colb, normb)
        x = _layer(x, h1, h2, p30, p31, W, b)
    return x[:_N]

# --- scband reference (transcript-rebuilt; emitter-appended) ---
"""Pipeline reference for scband-gnn-architecture-1-39049842655736 (READ-ONLY COPY).

The authoritative reference and input builder live on the scoring server;
editing this copy changes nothing except your own understanding.
"""

import jax, jax.numpy as jnp
import numpy as np

N = 10000
E = 320000
D = 128
K = 3


def setup_inputs(seed: int = 0) -> dict:
    key = jax.random.key(seed)
    ks = jax.random.split(key, 6)
    y = jax.random.normal(ks[0], (N, D), dtype=jnp.float32)
    edge_index = jax.random.randint(ks[1], (2, E), 0, N, dtype=jnp.int32)
    edge_attr = jax.random.uniform(ks[2], (E,), dtype=jnp.float32)
    # TAGConv layer 1: K+1 hop weights [in, out], bias (init per module: normal(0,0.1), bias=0.1)
    W1 = jax.random.normal(ks[3], (K + 1, D, D), dtype=jnp.float32) * 0.1
    b1 = jnp.full((D,), 0.1, dtype=jnp.float32)
    # TAGConv layer 2: no bias
    W2 = jax.random.normal(ks[4], (K + 1, D, D), dtype=jnp.float32) * 0.1
    return {"y": y, "edge_index": edge_index, "edge_attr": edge_attr, "W1": W1, "b1": b1, "W2": W2}


def _tag_conv(x, row, col, edge_attr, Ws, bias):
    n = x.shape[0]
    # gcn_norm (normalize=True, no self-loops, as in PyG TAGConv)
    deg = jnp.zeros((n,), dtype=x.dtype).at[col].add(edge_attr)
    deg_safe = jnp.where(deg > 0, deg, 1.0)
    dinv = jnp.where(deg > 0, 1.0 / jnp.sqrt(deg_safe), 0.0)
    norm = dinv[row] * edge_attr * dinv[col]
    out = x @ Ws[0]
    h = x
    for k in range(1, Ws.shape[0]):
        msg = h[row] * norm[:, None]          # gather + edge weighting
        h = jnp.zeros_like(h).at[col].add(msg)  # scatter-add aggregation
        out = out + h @ Ws[k]
    if bias is not None:
        out = out + bias
    return out


def reference(y, edge_index, edge_attr, W1, b1, W2):
    row, col = edge_index[0], edge_index[1]
    x = _tag_conv(y, row, col, edge_attr, W1, b1)
    x = jax.nn.leaky_relu(x, 0.01)
    x = _tag_conv(x, row, col, edge_attr, W2, None)
    x = jax.nn.leaky_relu(x, 0.01)
    return x

if __name__ == "__main__":
    import jax
    _d = setup_inputs()
    print(jax.jit(kernel)(*tuple(_d.values())))

</pallas_src>

<mosaic_0001>
#map = affine_map<(d0, d1) -> (0, 0)>
module attributes {stable_mosaic.version = 14 : i64} {
  func.func @_norm_body(%arg0: i32, %arg1: i32, %arg2: memref<2560x128xi32, #tpu.memory_space<hbm>>, %arg3: memref<2560x128xi32, #tpu.memory_space<hbm>>, %arg4: memref<2560x128xf32, #tpu.memory_space<hbm>>, %arg5: memref<2560x128xf32, #tpu.memory_space<hbm>>, %arg6: memref<10240xf32, #tpu.memory_space<vmem_shared>>, %arg7: memref<10240xf32, #tpu.memory_space<vmem_shared>>, %arg8: memref<160x128xi32, #tpu.memory_space<vmem>>, %arg9: memref<160x128xf32, #tpu.memory_space<vmem>>, %arg10: memref<640xf32, #tpu.memory_space<vmem>>, %arg11: memref<640xf32, #tpu.memory_space<vmem>>, %arg12: memref<640xf32, #tpu.memory_space<vmem>>, %arg13: memref<10240xf32, #tpu.memory_space<vmem>>, %arg14: memref<80x128xi32, #tpu.memory_space<vmem>>, %arg15: memref<80x128xi32, #tpu.memory_space<vmem>>, %arg16: memref<80x128xf32, #tpu.memory_space<vmem>>, %arg17: memref<80x128xf32, #tpu.memory_space<vmem>>) attributes {dimension_semantics = [#tpu.dimension_semantics<core_parallel>, #tpu.dimension_semantics<subcore_parallel>], iteration_bounds = array<i64: 2, 16>, scalar_prefetch = 0 : i64, scratch_operands = 12 : i64, tpu.core_type = #tpu.core_type<sc_vector_subcore>, window_params = [{transform_indices = #map}, {transform_indices = #map}, {transform_indices = #map}, {transform_indices = #map}]} {
    %mul3A = arith.constant 2 : i32
    %mul3A_0 = arith.muli %arg1, %mul3A : i32
    %add3A = arith.addi %mul3A_0, %arg0 : i32
    %scan3A = arith.constant 0 : i32
    %scan3A_1 = arith.constant 40 : i32
    %scan3A_2 = arith.addi %scan3A, %scan3A_1 : i32
    %scan3A_3 = arith.constant 1 : i32
    scf.for %scan3A_34 = %scan3A to %scan3A_2 step %scan3A_3  : i32 {
      %mul3A_35 = arith.constant 1 : i32
      %mul3A_36 = arith.muli %scan3A_34, %mul3A_35 : i32
      %add3A_37 = arith.constant 0 : i32
      %add3A_38 = arith.addi %add3A_37, %mul3A_36 : i32
      %broadcast_in_dim3A = arith.constant 0.000000e+00 : f32
      %broadcast_in_dim3A_39 = vector.broadcast %broadcast_in_dim3A : f32 to vector<16xf32>
      %mul3A_40 = arith.constant 16 : i32
      %mul3A_41 = arith.muli %add3A_38, %mul3A_40 : i32
      %swap3A = arith.index_cast %mul3A_41 : i32 to index
      %swap3A_42 = tpu.vector_load %arg10[%swap3A] {strides = array<i32>} : memref<640xf32, #tpu.memory_space<vmem>>, vector<16xf32>,
      tpu.vector_store %arg10[%swap3A], %broadcast_in_dim3A_39 {strides = array<i32>} : memref<640xf32, #tpu.memory_space<vmem>>, vector<16xf32>,
    }
    %scan3A_4 = arith.constant 40 : i32
    %mul3A_5 = arith.constant 640 : i32
    %mul3A_6 = arith.muli %arg1, %mul3A_5 : i32
    "tpu.region"() ({
      %run_scoped3A = tpu.sem_alloc : memref<!tpu.dma_semaphore, #tpu.memory_space<semaphore_mem>>
      %dma_start3A = tpu.memref_slice %arg6[%mul3A_6] : memref<10240xf32, #tpu.memory_space<vmem_shared>> -> memref<640xf32, #tpu.memory_space<vmem_shared>>
      %dma_start3A_34 = tpu.memref_slice %arg6[%mul3A_6] : memref<10240xf32, #tpu.memory_space<vmem_shared>> -> memref<640xf32, #tpu.memory_space<vmem_shared>>
      tpu.enqueue_dma source(%arg10 : memref<640xf32, #tpu.memory_space<vmem>>) target(%dma_start3A_34 : memref<640xf32, #tpu.memory_space<vmem_shared>>) target_semaphore(%run_scoped3A : memref<!tpu.dma_semaphore, #tpu.memory_space<semaphore_mem>>)
      %dma_wait3A = tpu.memref_slice %arg6[%mul3A_6] : memref<10240xf32, #tpu.memory_space<vmem_shared>> -> memref<640xf32, #tpu.memory_space<vmem_shared>>
      %dma_wait3A_35 = tpu.memref_slice %arg6[%mul3A_6] : memref<10240xf32, #tpu.memory_space<vmem_shared>> -> memref<640xf32, #tpu.memory_space<vmem_shared>>
      tpu.wait_dma2 semaphore(%run_scoped3A : memref<!tpu.dma_semaphore, #tpu.memory_space<semaphore_mem>>) src(%arg10 : memref<640xf32, #tpu.memory_space<vmem>>) dst(%dma_wait3A_35 : memref<640xf32, #tpu.memory_space<vmem_shared>>)
      tpu.yield
    }) : () -> ()
    %barrier3A = arith.constant 0 : index
    tpu.barrier barrier_id(%barrier3A)
    %mul3A_7 = arith.constant 160 : i32
    %mul3A_8 = arith.muli %arg1, %mul3A_7 : i32
    "tpu.region"() ({
      %run_scoped3A = tpu.sem_alloc : memref<!tpu.dma_semaphore, #tpu.memory_space<semaphore_mem>>
      %dma_start3A = arith.constant 0 : i32
      %dma_start3A_34 = tpu.memref_slice %arg3[%mul3A_8, %dma_start3A] : memref<2560x128xi32, #tpu.memory_space<hbm>> -> memref<160x128xi32, #tpu.memory_space<hbm>>
      %dma_start3A_35 = arith.constant 0 : i32
      %dma_start3A_36 = tpu.memref_slice %arg3[%mul3A_8, %dma_start3A_35] : memref<2560x128xi32, #tpu.memory_space<hbm>> -> memref<160x128xi32, #tpu.memory_space<hbm>>
      tpu.enqueue_dma source(%dma_start3A_36 : memref<160x128xi32, #tpu.memory_space<hbm>>) target(%arg8 : memref<160x128xi32, #tpu.memory_space<vmem>>) target_semaphore(%run_scoped3A : memref<!tpu.dma_semaphore, #tpu.memory_space<semaphore_mem>>)
      %dma_wait3A = arith.constant 0 : i32
      %dma_wait3A_37 = tpu.memref_slice %arg3[%mul3A_8, %dma_wait3A] : memref<2560x128xi32, #tpu.memory_space<hbm>> -> memref<160x128xi32, #tpu.memory_space<hbm>>
      %dma_wait3A_38 = arith.constant 0 : i32
      %dma_wait3A_39 = tpu.memref_slice %arg3[%mul3A_8, %dma_wait3A_38] : memref<2560x128xi32, #tpu.memory_space<hbm>> -> memref<160x128xi32, #tpu.memory_space<hbm>>
      tpu.wait_dma2 semaphore(%run_scoped3A : memref<!tpu.dma_semaphore, #tpu.memory_space<semaphore_mem>>) src(%dma_wait3A_39 : memref<160x128xi32, #tpu.memory_space<hbm>>) dst(%arg8 : memref<160x128xi32, #tpu.memory_space<vmem>>)
      tpu.yield
    }) : () -> ()
    %mul3A_9 = arith.constant 160 : i32
    %mul3A_10 = arith.muli %arg1, %mul3A_9 : i32
    "tpu.region"() ({
      %run_scoped3A = tpu.sem_alloc : memref<!tpu.dma_semaphore, #tpu.memory_space<semaphore_mem>>
      %dma_start3A = arith.constant 0 : i32
      %dma_start3A_34 = tpu.memref_slice %arg4[%mul3A_10, %dma_start3A] : memref<2560x128xf32, #tpu.memory_space<hbm>> -> memref<160x128xf32, #tpu.memory_space<hbm>>
      %dma_start3A_35 = arith.constant 0 : i32
      %dma_start3A_36 = tpu.memref_slice %arg4[%mul3A_10, %dma_start3A_35] : memref<2560x128xf32, #tpu.memory_space<hbm>> -> memref<160x128xf32, #tpu.memory_space<hbm>>
      tpu.enqueue_dma source(%dma_start3A_36 : memref<160x128xf32, #tpu.memory_space<hbm>>) target(%arg9 : memref<160x128xf32, #tpu.memory_space<vmem>>) target_semaphore(%run_scoped3A : memref<!tpu.dma_semaphore, #tpu.memory_space<semaphore_mem>>)
      %dma_wait3A = arith.constant 0 : i32
      %dma_wait3A_37 = tpu.memref_slice %arg4[%mul3A_10, %dma_wait3A] : memref<2560x128xf32, #tpu.memory_space<hbm>> -> memref<160x128xf32, #tpu.memory_space<hbm>>
      %dma_wait3A_38 = arith.constant 0 : i32
      %dma_wait3A_39 = tpu.memref_slice %arg4[%mul3A_10, %dma_wait3A_38] : memref<2560x128xf32, #tpu.memory_space<hbm>> -> memref<160x128xf32, #tpu.memory_space<hbm>>
      tpu.wait_dma2 semaphore(%run_scoped3A : memref<!tpu.dma_semaphore, #tpu.memory_space<semaphore_mem>>) src(%dma_wait3A_39 : memref<160x128xf32, #tpu.memory_space<hbm>>) dst(%arg9 : memref<160x128xf32, #tpu.memory_space<vmem>>)
      tpu.yield
    }) : () -> ()
    %scan3A_11 = arith.constant 0 : i32
    %scan3A_12 = arith.constant 160 : i32
    %scan3A_13 = arith.addi %scan3A_11, %scan3A_12 : i32
    %scan3A_14 = arith.constant 1 : i32
    scf.for %scan3A_34 = %scan3A_11 to %scan3A_13 step %scan3A_14  : i32 {
      %mul3A_35 = arith.constant 1 : i32
      %mul3A_36 = arith.muli %scan3A_34, %mul3A_35 : i32
      %add3A_37 = arith.constant 0 : i32
      %add3A_38 = arith.addi %add3A_37, %mul3A_36 : i32
      "tpu.region"() ({
        %run_scoped3A = tpu.sem_alloc : memref<!tpu.dma_semaphore, #tpu.memory_space<semaphore_mem>>
        %dma_start3A = arith.constant 0 : i32
        %dma_start3A_39 = tpu.memref_slice %arg9[%add3A_38, %dma_start3A] : memref<160x128xf32, #tpu.memory_space<vmem>> -> memref<1x128xf32, #tpu.memory_space<vmem>>
        %dma_start3A_40 = tpu.memref_squeeze %dma_start3A_39 : memref<1x128xf32, #tpu.memory_space<vmem>> -> memref<128xf32, #tpu.memory_space<vmem>>
        %dma_start3A_41 = arith.constant 0 : i32
        %dma_start3A_42 = tpu.memref_slice %arg8[%add3A_38, %dma_start3A_41] : memref<160x128xi32, #tpu.memory_space<vmem>> -> memref<1x128xi32, #tpu.memory_space<vmem>>
        %dma_start3A_43 = tpu.memref_squeeze %dma_start3A_42 : memref<1x128xi32, #tpu.memory_space<vmem>> -> memref<128xi32, #tpu.memory_space<vmem>>
        %dma_start3A_44 = arith.constant 0 : i32
        %dma_start3A_45 = tpu.memref_slice %arg6[%dma_start3A_44] : memref<10240xf32, #tpu.memory_space<vmem_shared>> -> memref<10240xf32, #tpu.memory_space<vmem_shared>>
        tpu.enqueue_indirect_dma source(%dma_start3A_40 : memref<128xf32, #tpu.memory_space<vmem>>) target(%dma_start3A_45 : memref<10240xf32, #tpu.memory_space<vmem_shared>>) offsets(%dma_start3A_43 : memref<128xi32, #tpu.memory_space<vmem>>) semaphore(%run_scoped3A : memref<!tpu.dma_semaphore, #tpu.memory_space<semaphore_mem>>) {add = true}
        %dma_wait3A = arith.constant 0 : i32
        %dma_wait3A_46 = tpu.memref_slice %arg9[%add3A_38, %dma_wait3A] : memref<160x128xf32, #tpu.memory_space<vmem>> -> memref<1x128xf32, #tpu.memory_space<vmem>>
        %dma_wait3A_47 = tpu.memref_squeeze %dma_wait3A_46 : memref<1x128xf32, #tpu.memory_space<vmem>> -> memref<128xf32, #tpu.memory_space<vmem>>
        %dma_wait3A_48 = arith.constant 0 : i32
        %dma_wait3A_49 = tpu.memref_slice %arg8[%add3A_38, %dma_wait3A_48] : memref<160x128xi32, #tpu.memory_space<vmem>> -> memref<1x128xi32, #tpu.memory_space<vmem>>
        %dma_wait3A_50 = tpu.memref_squeeze %dma_wait3A_49 : memref<1x128xi32, #tpu.memory_space<vmem>> -> memref<128xi32, #tpu.memory_space<vmem>>
        %dma_wait3A_51 = arith.constant 0 : i32
        %dma_wait3A_52 = tpu.memref_slice %arg6[%dma_wait3A_51] : memref<10240xf32, #tpu.memory_space<vmem_shared>> -> memref<10240xf32, #tpu.memory_space<vmem_shared>>
        tpu.wait_indirect_dma semaphore(%run_scoped3A : memref<!tpu.dma_semaphore, #tpu.memory_space<semaphore_mem>>) src(%dma_wait3A_47 : memref<128xf32, #tpu.memory_space<vmem>>) dst(%dma_wait3A_52 : memref<10240xf32, #tpu.memory_space<vmem_shared>>)
        tpu.yield
      }) : () -> ()
    }
    %scan3A_15 = arith.constant 160 : i32
    %barrier3A_16 = arith.constant 0 : index
    tpu.barrier barrier_id(%barrier3A_16)
    %mul3A_17 = arith.constant 640 : i32
    %mul3A_18 = arith.muli %arg1, %mul3A_17 : i32
    "tpu.region"() ({
      %run_scoped3A = tpu.sem_alloc : memref<!tpu.dma_semaphore, #tpu.memory_space<semaphore_mem>>
      %dma_start3A = tpu.memref_slice %arg6[%mul3A_18] : memref<10240xf32, #tpu.memory_space<vmem_shared>> -> memref<640xf32, #tpu.memory_space<vmem_shared>>
      %dma_start3A_34 = tpu.memref_slice %arg6[%mul3A_18] : memref<10240xf32, #tpu.memory_space<vmem_shared>> -> memref<640xf32, #tpu.memory_space<vmem_shared>>
      tpu.enqueue_dma source(%dma_start3A_34 : memref<640xf32, #tpu.memory_space<vmem_shared>>) target(%arg11 : memref<640xf32, #tpu.memory_space<vmem>>) target_semaphore(%run_scoped3A : memref<!tpu.dma_semaphore, #tpu.memory_space<semaphore_mem>>)
      %dma_wait3A = tpu.memref_slice %arg6[%mul3A_18] : memref<10240xf32, #tpu.memory_space<vmem_shared>> -> memref<640xf32, #tpu.memory_space<vmem_shared>>
      %dma_wait3A_35 = tpu.memref_slice %arg6[%mul3A_18] : memref<10240xf32, #tpu.memory_space<vmem_shared>> -> memref<640xf32, #tpu.memory_space<vmem_shared>>
      tpu.wait_dma2 semaphore(%run_scoped3A : memref<!tpu.dma_semaphore, #tpu.memory_space<semaphore_mem>>) src(%dma_wait3A_35 : memref<640xf32, #tpu.memory_space<vmem_shared>>) dst(%arg11 : memref<640xf32, #tpu.memory_space<vmem>>)
      tpu.yield
    }) : () -> ()
    %scan3A_19 = arith.constant 0 : i32
    %scan3A_20 = arith.constant 40 : i32
    %scan3A_21 = arith.addi %scan3A_19, %scan3A_20 : i32
    %scan3A_22 = arith.constant 1 : i32
    scf.for %scan3A_34 = %scan3A_19 to %scan3A_21 step %scan3A_22  : i32 {
      %mul3A_35 = arith.constant 1 : i32
      %mul3A_36 = arith.muli %scan3A_34, %mul3A_35 : i32
      %add3A_37 = arith.constant 0 : i32
      %add3A_38 = arith.addi %add3A_37, %mul3A_36 : i32
      %mul3A_39 = arith.constant 16 : i32
      %mul3A_40 = arith.muli %add3A_38, %mul3A_39 : i32
      %get3A = arith.index_cast %mul3A_40 : i32 to index
      %get3A_41 = tpu.vector_load %arg11[%get3A] {strides = array<i32>} : memref<640xf32, #tpu.memory_space<vmem>>, vector<16xf32>,
      %bitcast3A = vector.bitcast %get3A_41 : vector<16xf32> to vector<16xi32>
      %shift_right_arithmetic3A = arith.constant 1 : i32
      %shift_right_arithmetic3A_42 = vector.broadcast %shift_right_arithmetic3A : i32 to vector<16xi32>
      %shift_right_arithmetic3A_43 = arith.shrsi %bitcast3A, %shift_right_arithmetic3A_42 : vector<16xi32>
      %sub3A = arith.constant 1597463007 : i32
      %sub3A_44 = vector.broadcast %sub3A : i32 to vector<16xi32>
      %sub3A_45 = arith.subi %sub3A_44, %shift_right_arithmetic3A_43 : vector<16xi32>
      %bitcast3A_46 = vector.bitcast %sub3A_45 : vector<16xi32> to vector<16xf32>
      %mul3A_47 = arith.constant 5.000000e-01 : f32
      %mul3A_48 = vector.broadcast %mul3A_47 : f32 to vector<16xf32>
      %mul3A_49 = arith.mulf %mul3A_48, %get3A_41 : vector<16xf32>
      %mul3A_50 = arith.mulf %mul3A_49, %bitcast3A_46 : vector<16xf32>
      %mul3A_51 = arith.mulf %mul3A_50, %bitcast3A_46 : vector<16xf32>
      %sub3A_52 = arith.constant 1.500000e+00 : f32
      %sub3A_53 = vector.broadcast %sub3A_52 : f32 to vector<16xf32>
      %sub3A_54 = arith.subf %sub3A_53, %mul3A_51 : vector<16xf32>
      %mul3A_55 = arith.mulf %bitcast3A_46, %sub3A_54 : vector<16xf32>
      %mul3A_56 = arith.constant 5.000000e-01 : f32
      %mul3A_57 = vector.broadcast %mul3A_56 : f32 to vector<16xf32>
      %mul3A_58 = arith.mulf %mul3A_57, %get3A_41 : vector<16xf32>
      %mul3A_59 = arith.mulf %mul3A_58, %mul3A_55 : vector<16xf32>
      %mul3A_60 = arith.mulf %mul3A_59, %mul3A_55 : vector<16xf32>
      %sub3A_61 = arith.constant 1.500000e+00 : f32
      %sub3A_62 = vector.broadcast %sub3A_61 : f32 to vector<16xf32>
      %sub3A_63 = arith.subf %sub3A_62, %mul3A_60 : vector<16xf32>
      %mul3A_64 = arith.mulf %mul3A_55, %sub3A_63 : vector<16xf32>
      %mul3A_65 = arith.constant 5.000000e-01 : f32
      %mul3A_66 = vector.broadcast %mul3A_65 : f32 to vector<16xf32>
      %mul3A_67 = arith.mulf %mul3A_66, %get3A_41 : vector<16xf32>
      %mul3A_68 = arith.mulf %mul3A_67, %mul3A_64 : vector<16xf32>
      %mul3A_69 = arith.mulf %mul3A_68, %mul3A_64 : vector<16xf32>
      %sub3A_70 = arith.constant 1.500000e+00 : f32
      %sub3A_71 = vector.broadcast %sub3A_70 : f32 to vector<16xf32>
      %sub3A_72 = arith.subf %sub3A_71, %mul3A_69 : vector<16xf32>
      %mul3A_73 = arith.mulf %mul3A_64, %sub3A_72 : vector<16xf32>
      %gt3A = arith.constant 0.000000e+00 : f32
      %gt3A_74 = vector.broadcast %gt3A : f32 to vector<16xf32>
      %gt3A_75 = arith.cmpf ogt, %get3A_41, %gt3A_74 : vector<16xf32>
      %jit3A = arith.constant 0.000000e+00 : f32
      %broadcast_in_dim3A = vector.broadcast %jit3A : f32 to vector<16xf32>
      %select_n3A = arith.select %gt3A_75, %mul3A_73, %broadcast_in_dim3A : vector<16xi1>, vector<16xf32>
      %swap3A = arith.index_cast %mul3A_40 : i32 to index
      %swap3A_76 = tpu.vector_load %arg12[%swap3A] {strides = array<i32>} : memref<640xf32, #tpu.memory_space<vmem>>, vector<16xf32>,
      tpu.vector_store %arg12[%swap3A], %select_n3A {strides = array<i32>} : memref<640xf32, #tpu.memory_space<vmem>>, vector<16xf32>,
    }
    %scan3A_23 = arith.constant 40 : i32
    %mul3A_24 = arith.constant 640 : i32
    %mul3A_25 = arith.muli %arg1, %mul3A_24 : i32
    "tpu.region"() ({
      %run_scoped3A = tpu.sem_alloc : memref<!tpu.dma_semaphore, #tpu.memory_space<semaphore_mem>>
      %dma_start3A = tpu.memref_slice %arg7[%mul3A_25] : memref<10240xf32, #tpu.memory_space<vmem_shared>> -> memref<640xf32, #tpu.memory_space<vmem_shared>>
      %dma_start3A_34 = tpu.memref_slice %arg7[%mul3A_25] : memref<10240xf32, #tpu.memory_space<vmem_shared>> -> memref<640xf32, #tpu.memory_space<vmem_shared>>
      tpu.enqueue_dma source(%arg12 : memref<640xf32, #tpu.memory_space<vmem>>) target(%dma_start3A_34 : memref<640xf32, #tpu.memory_space<vmem_shared>>) target_semaphore(%run_scoped3A : memref<!tpu.dma_semaphore, #tpu.memory_space<semaphore_mem>>)
      %dma_wait3A = tpu.memref_slice %arg7[%mul3A_25] : memref<10240xf32, #tpu.memory_space<vmem_shared>> -> memref<640xf32, #tpu.memory_space<vmem_shared>>
      %dma_wait3A_35 = tpu.memref_slice %arg7[%mul3A_25] : memref<10240xf32, #tpu.memory_space<vmem_shared>> -> memref<640xf32, #tpu.memory_space<vmem_shared>>
      tpu.wait_dma2 semaphore(%run_scoped3A : memref<!tpu.dma_semaphore, #tpu.memory_space<semaphore_mem>>) src(%arg12 : memref<640xf32, #tpu.memory_space<vmem>>) dst(%dma_wait3A_35 : memref<640xf32, #tpu.memory_space<vmem_shared>>)
      tpu.yield
    }) : () -> ()
    %barrier3A_26 = arith.constant 0 : index
    tpu.barrier barrier_id(%barrier3A_26)
    "tpu.region"() ({
      %run_scoped3A = tpu.sem_alloc : memref<!tpu.dma_semaphore, #tpu.memory_space<semaphore_mem>>
      tpu.enqueue_dma source(%arg7 : memref<10240xf32, #tpu.memory_space<vmem_shared>>) target(%arg13 : memref<10240xf32, #tpu.memory_space<vmem>>) target_semaphore(%run_scoped3A : memref<!tpu.dma_semaphore, #tpu.memory_space<semaphore_mem>>)
      tpu.wait_dma2 semaphore(%run_scoped3A : memref<!tpu.dma_semaphore, #tpu.memory_space<semaphore_mem>>) src(%arg7 : memref<10240xf32, #tpu.memory_space<vmem_shared>>) dst(%arg13 : memref<10240xf32, #tpu.memory_space<vmem>>)
      tpu.yield
    }) : () -> ()
    %mul3A_27 = arith.constant 80 : i32
    %mul3A_28 = arith.muli %add3A, %mul3A_27 : i32
    "tpu.region"() ({
      %run_scoped3A = tpu.sem_alloc : memref<!tpu.dma_semaphore, #tpu.memory_space<semaphore_mem>>
      %dma_start3A = arith.constant 0 : i32
      %dma_start3A_34 = tpu.memref_slice %arg2[%mul3A_28, %dma_start3A] : memref<2560x128xi32, #tpu.memory_space<hbm>> -> memref<80x128xi32, #tpu.memory_space<hbm>>
      %dma_start3A_35 = arith.constant 0 : i32
      %dma_start3A_36 = tpu.memref_slice %arg2[%mul3A_28, %dma_start3A_35] : memref<2560x128xi32, #tpu.memory_space<hbm>> -> memref<80x128xi32, #tpu.memory_space<hbm>>
      tpu.enqueue_dma source(%dma_start3A_36 : memref<80x128xi32, #tpu.memory_space<hbm>>) target(%arg14 : memref<80x128xi32, #tpu.memory_space<vmem>>) target_semaphore(%run_scoped3A : memref<!tpu.dma_semaphore, #tpu.memory_space<semaphore_mem>>)
      %dma_wait3A = arith.constant 0 : i32
      %dma_wait3A_37 = tpu.memref_slice %arg2[%mul3A_28, %dma_wait3A] : memref<2560x128xi32, #tpu.memory_space<hbm>> -> memref<80x128xi32, #tpu.memory_space<hbm>>
      %dma_wait3A_38 = arith.constant 0 : i32
      %dma_wait3A_39 = tpu.memref_slice %arg2[%mul3A_28, %dma_wait3A_38] : memref<2560x128xi32, #tpu.memory_space<hbm>> -> memref<80x128xi32, #tpu.memory_space<hbm>>
      tpu.wait_dma2 semaphore(%run_scoped3A : memref<!tpu.dma_semaphore, #tpu.memory_space<semaphore_mem>>) src(%dma_wait3A_39 : memref<80x128xi32, #tpu.memory_space<hbm>>) dst(%arg14 : memref<80x128xi32, #tpu.memory_space<vmem>>)
      tpu.yield
    }) : () -> ()
    "tpu.region"() ({
      %run_scoped3A = tpu.sem_alloc : memref<!tpu.dma_semaphore, #tpu.memory_space<semaphore_mem>>
      %dma_start3A = arith.constant 0 : i32
      %dma_start3A_34 = tpu.memref_slice %arg3[%mul3A_28, %dma_start3A] : memref<2560x128xi32, #tpu.memory_space<hbm>> -> memref<80x128xi32, #tpu.memory_space<hbm>>
      %dma_start3A_35 = arith.constant 0 : i32
      %dma_start3A_36 = tpu.memref_slice %arg3[%mul3A_28, %dma_start3A_35] : memref<2560x128xi32, #tpu.memory_space<hbm>> -> memref<80x128xi32, #tpu.memory_space<hbm>>
      tpu.enqueue_dma source(%dma_start3A_36 : memref<80x128xi32, #tpu.memory_space<hbm>>) target(%arg15 : memref<80x128xi32, #tpu.memory_space<vmem>>) target_semaphore(%run_scoped3A : memref<!tpu.dma_semaphore, #tpu.memory_space<semaphore_mem>>)
      %dma_wait3A = arith.constant 0 : i32
      %dma_wait3A_37 = tpu.memref_slice %arg3[%mul3A_28, %dma_wait3A] : memref<2560x128xi32, #tpu.memory_space<hbm>> -> memref<80x128xi32, #tpu.memory_space<hbm>>
      %dma_wait3A_38 = arith.constant 0 : i32
      %dma_wait3A_39 = tpu.memref_slice %arg3[%mul3A_28, %dma_wait3A_38] : memref<2560x128xi32, #tpu.memory_space<hbm>> -> memref<80x128xi32, #tpu.memory_space<hbm>>
      tpu.wait_dma2 semaphore(%run_scoped3A : memref<!tpu.dma_semaphore, #tpu.memory_space<semaphore_mem>>) src(%dma_wait3A_39 : memref<80x128xi32, #tpu.memory_space<hbm>>) dst(%arg15 : memref<80x128xi32, #tpu.memory_space<vmem>>)
      tpu.yield
    }) : () -> ()
    "tpu.region"() ({
      %run_scoped3A = tpu.sem_alloc : memref<!tpu.dma_semaphore, #tpu.memory_space<semaphore_mem>>
      %dma_start3A = arith.constant 0 : i32
      %dma_start3A_34 = tpu.memref_slice %arg4[%mul3A_28, %dma_start3A] : memref<2560x128xf32, #tpu.memory_space<hbm>> -> memref<80x128xf32, #tpu.memory_space<hbm>>
      %dma_start3A_35 = arith.constant 0 : i32
      %dma_start3A_36 = tpu.memref_slice %arg4[%mul3A_28, %dma_start3A_35] : memref<2560x128xf32, #tpu.memory_space<hbm>> -> memref<80x128xf32, #tpu.memory_space<hbm>>
      tpu.enqueue_dma source(%dma_start3A_36 : memref<80x128xf32, #tpu.memory_space<hbm>>) target(%arg16 : memref<80x128xf32, #tpu.memory_space<vmem>>) target_semaphore(%run_scoped3A : memref<!tpu.dma_semaphore, #tpu.memory_space<semaphore_mem>>)
      %dma_wait3A = arith.constant 0 : i32
      %dma_wait3A_37 = tpu.memref_slice %arg4[%mul3A_28, %dma_wait3A] : memref<2560x128xf32, #tpu.memory_space<hbm>> -> memref<80x128xf32, #tpu.memory_space<hbm>>
      %dma_wait3A_38 = arith.constant 0 : i32
      %dma_wait3A_39 = tpu.memref_slice %arg4[%mul3A_28, %dma_wait3A_38] : memref<2560x128xf32, #tpu.memory_space<hbm>> -> memref<80x128xf32, #tpu.memory_space<hbm>>
      tpu.wait_dma2 semaphore(%run_scoped3A : memref<!tpu.dma_semaphore, #tpu.memory_space<semaphore_mem>>) src(%dma_wait3A_39 : memref<80x128xf32, #tpu.memory_space<hbm>>) dst(%arg16 : memref<80x128xf32, #tpu.memory_space<vmem>>)
      tpu.yield
    }) : () -> ()
    %scan3A_29 = arith.constant 0 : i32
    %scan3A_30 = arith.constant 80 : i32
    %scan3A_31 = arith.addi %scan3A_29, %scan3A_30 : i32
    %scan3A_32 = arith.constant 1 : i32
    scf.for %scan3A_34 = %scan3A_29 to %scan3A_31 step %scan3A_32  : i32 {
      %mul3A_35 = arith.constant 1 : i32
      %mul3A_36 = arith.muli %scan3A_34, %mul3A_35 : i32
      %add3A_37 = arith.constant 0 : i32
      %add3A_38 = arith.addi %add3A_37, %mul3A_36 : i32
      %get3A = arith.index_cast %add3A_38 : i32 to index
      %get3A_39 = arith.constant 0 : index
      %get3A_40 = tpu.vector_load %arg14[%get3A, %get3A_39] {strides = array<i32>} : memref<80x128xi32, #tpu.memory_space<vmem>>, vector<16xi32>,
      %gather3A = tpu.vector_load_idx %arg13[%get3A_40] : memref<10240xf32, #tpu.memory_space<vmem>>[vector<16xi32>], vector<16xf32>,
      %get3A_41 = arith.index_cast %add3A_38 : i32 to index
      %get3A_42 = arith.constant 0 : index
      %get3A_43 = tpu.vector_load %arg15[%get3A_41, %get3A_42] {strides = array<i32>} : memref<80x128xi32, #tpu.memory_space<vmem>>, vector<16xi32>,
      %gather3A_44 = tpu.vector_load_idx %arg13[%get3A_43] : memref<10240xf32, #tpu.memory_space<vmem>>[vector<16xi32>], vector<16xf32>,
      %get3A_45 = arith.index_cast %add3A_38 : i32 to index
      %get3A_46 = arith.constant 0 : index
      %get3A_47 = tpu.vector_load %arg16[%get3A_45, %get3A_46] {strides = array<i32>} : memref<80x128xf32, #tpu.memory_space<vmem>>, vector<16xf32>,
      %mul3A_48 = arith.mulf %gather3A, %get3A_47 : vector<16xf32>
      %mul3A_49 = arith.mulf %mul3A_48, %gather3A_44 : vector<16xf32>
      %swap3A = arith.index_cast %add3A_38 : i32 to index
      %swap3A_50 = arith.constant 0 : index
      %swap3A_51 = tpu.vector_load %arg17[%swap3A, %swap3A_50] {strides = array<i32>} : memref<80x128xf32, #tpu.memory_space<vmem>>, vector<16xf32>,
      tpu.vector_store %arg17[%swap3A, %swap3A_50], %mul3A_49 {strides = array<i32>} : memref<80x128xf32, #tpu.memory_space<vmem>>, vector<16xf32>,
      %get3A_52 = arith.index_cast %add3A_38 : i32 to index
      %get3A_53 = arith.constant 16 : index
      %get3A_54 = tpu.vector_load %arg14[%get3A_52, %get3A_53] {strides = array<i32>} : memref<80x128xi32, #tpu.memory_space<vmem>>, vector<16xi32>,
      %gather3A_55 = tpu.vector_load_idx %arg13[%get3A_54] : memref<10240xf32, #tpu.memory_space<vmem>>[vector<16xi32>], vector<16xf32>,
      %get3A_56 = arith.index_cast %add3A_38 : i32 to index
      %get3A_57 = arith.constant 16 : index
      %get3A_58 = tpu.vector_load %arg15[%get3A_56, %get3A_57] {strides = array<i32>} : memref<80x128xi32, #tpu.memory_space<vmem>>, vector<16xi32>,
      %gather3A_59 = tpu.vector_load_idx %arg13[%get3A_58] : memref<10240xf32, #tpu.memory_space<vmem>>[vector<16xi32>], vector<16xf32>,
      %get3A_60 = arith.index_cast %add3A_38 : i32 to index
      %get3A_61 = arith.constant 16 : index
      %get3A_62 = tpu.vector_load %arg16[%get3A_60, %get3A_61] {strides = array<i32>} : memref<80x128xf32, #tpu.memory_space<vmem>>, vector<16xf32>,
      %mul3A_63 = arith.mulf %gather3A_55, %get3A_62 : vector<16xf32>
      %mul3A_64 = arith.mulf %mul3A_63, %gather3A_59 : vector<16xf32>
      %swap3A_65 = arith.index_cast %add3A_38 : i32 to index
      %swap3A_66 = arith.constant 16 : index
      %swap3A_67 = tpu.vector_load %arg17[%swap3A_65, %swap3A_66] {strides = array<i32>} : memref<80x128xf32, #tpu.memory_space<vmem>>, vector<16xf32>,
      tpu.vector_store %arg17[%swap3A_65, %swap3A_66], %mul3A_64 {strides = array<i32>} : memref<80x128xf32, #tpu.memory_space<vmem>>, vector<16xf32>,
      %get3A_68 = arith.index_cast %add3A_38 : i32 to index
      %get3A_69 = arith.constant 32 : index
      %get3A_70 = tpu.vector_load %arg14[%get3A_68, %get3A_69] {strides = array<i32>} : memref<80x128xi32, #tpu.memory_space<vmem>>, vector<16xi32>,
      %gather3A_71 = tpu.vector_load_idx %arg13[%get3A_70] : memref<10240xf32, #tpu.memory_space<vmem>>[vector<16xi32>], vector<16xf32>,
      %get3A_72 = arith.index_cast %add3A_38 : i32 to index
      %get3A_73 = arith.constant 32 : index
      %get3A_74 = tpu.vector_load %arg15[%get3A_72, %get3A_73] {strides = array<i32>} : memref<80x128xi32, #tpu.memory_space<vmem>>, vector<16xi32>,
      %gather3A_75 = tpu.vector_load_idx %arg13[%get3A_74] : memref<10240xf32, #tpu.memory_space<vmem>>[vector<16xi32>], vector<16xf32>,
      %get3A_76 = arith.index_cast %add3A_38 : i32 to index
      %get3A_77 = arith.constant 32 : index
      %get3A_78 = tpu.vector_load %arg16[%get3A_76, %get3A_77] {strides = array<i32>} : memref<80x128xf32, #tpu.memory_space<vmem>>, vector<16xf32>,
      %mul3A_79 = arith.mulf %gather3A_71, %get3A_78 : vector<16xf32>
      %mul3A_80 = arith.mulf %mul3A_79, %gather3A_75 : vector<16xf32>
      %swap3A_81 = arith.index_cast %add3A_38 : i32 to index
      %swap3A_82 = arith.constant 32 : index
      %swap3A_83 = tpu.vector_load %arg17[%swap3A_81, %swap3A_82] {strides = array<i32>} : memref<80x128xf32, #tpu.memory_space<vmem>>, vector<16xf32>,
      tpu.vector_store %arg17[%swap3A_81, %swap3A_82], %mul3A_80 {strides = array<i32>} : memref<80x128xf32, #tpu.memory_space<vmem>>, vector<16xf32>,
      %get3A_84 = arith.index_cast %add3A_38 : i32 to index
      %get3A_85 = arith.constant 48 : index
      %get3A_86 = tpu.vector_load %arg14[%get3A_84, %get3A_85] {strides = array<i32>} : memref<80x128xi32, #tpu.memory_space<vmem>>, vector<16xi32>,
      %gather3A_87 = tpu.vector_load_idx %arg13[%get3A_86] : memref<10240xf32, #tpu.memory_space<vmem>>[vector<16xi32>], vector<16xf32>,
      %get3A_88 = arith.index_cast %add3A_38 : i32 to index
      %get3A_89 = arith.constant 48 : index
      %get3A_90 = tpu.vector_load %arg15[%get3A_88, %get3A_89] {strides = array<i32>} : memref<80x128xi32, #tpu.memory_space<vmem>>, vector<16xi32>,
      %gather3A_91 = tpu.vector_load_idx %arg13[%get3A_90] : memref<10240xf32, #tpu.memory_space<vmem>>[vector<16xi32>], vector<16xf32>,
      %get3A_92 = arith.index_cast %add3A_38 : i32 to index
      %get3A_93 = arith.constant 48 : index
      %get3A_94 = tpu.vector_load %arg16[%get3A_92, %get3A_93] {strides = array<i32>} : memref<80x128xf32, #tpu.memory_space<vmem>>, vector<16xf32>,
      %mul3A_95 = arith.mulf %gather3A_87, %get3A_94 : vector<16xf32>
      %mul3A_96 = arith.mulf %mul3A_95, %gather3A_91 : vector<16xf32>
      %swap3A_97 = arith.index_cast %add3A_38 : i32 to index
      %swap3A_98 = arith.constant 48 : index
      %swap3A_99 = tpu.vector_load %arg17[%swap3A_97, %swap3A_98] {strides = array<i32>} : memref<80x128xf32, #tpu.memory_space<vmem>>, vector<16xf32>,
      tpu.vector_store %arg17[%swap3A_97, %swap3A_98], %mul3A_96 {strides = array<i32>} : memref<80x128xf32, #tpu.memory_space<vmem>>, vector<16xf32>,
      %get3A_100 = arith.index_cast %add3A_38 : i32 to index
      %get3A_101 = arith.constant 64 : index
      %get3A_102 = tpu.vector_load %arg14[%get3A_100, %get3A_101] {strides = array<i32>} : memref<80x128xi32, #tpu.memory_space<vmem>>, vector<16xi32>,
      %gather3A_103 = tpu.vector_load_idx %arg13[%get3A_102] : memref<10240xf32, #tpu.memory_space<vmem>>[vector<16xi32>], vector<16xf32>,
      %get3A_104 = arith.index_cast %add3A_38 : i32 to index
      %get3A_105 = arith.constant 64 : index
      %get3A_106 = tpu.vector_load %arg15[%get3A_104, %get3A_105] {strides = array<i32>} : memref<80x128xi32, #tpu.memory_space<vmem>>, vector<16xi32>,
      %gather3A_107 = tpu.vector_load_idx %arg13[%get3A_106] : memref<10240xf32, #tpu.memory_space<vmem>>[vector<16xi32>], vector<16xf32>,
      %get3A_108 = arith.index_cast %add3A_38 : i32 to index
      %get3A_109 = arith.constant 64 : index
      %get3A_110 = tpu.vector_load %arg16[%get3A_108, %get3A_109] {strides = array<i32>} : memref<80x128xf32, #tpu.memory_space<vmem>>, vector<16xf32>,
      %mul3A_111 = arith.mulf %gather3A_103, %get3A_110 : vector<16xf32>
      %mul3A_112 = arith.mulf %mul3A_111, %gather3A_107 : vector<16xf32>
      %swap3A_113 = arith.index_cast %add3A_38 : i32 to index
      %swap3A_114 = arith.constant 64 : index
      %swap3A_115 = tpu.vector_load %arg17[%swap3A_113, %swap3A_114] {strides = array<i32>} : memref<80x128xf32, #tpu.memory_space<vmem>>, vector<16xf32>,
      tpu.vector_store %arg17[%swap3A_113, %swap3A_114], %mul3A_112 {strides = array<i32>} : memref<80x128xf32, #tpu.memory_space<vmem>>, vector<16xf32>,
      %get3A_116 = arith.index_cast %add3A_38 : i32 to index
      %get3A_117 = arith.constant 80 : index
      %get3A_118 = tpu.vector_load %arg14[%get3A_116, %get3A_117] {strides = array<i32>} : memref<80x128xi32, #tpu.memory_space<vmem>>, vector<16xi32>,
      %gather3A_119 = tpu.vector_load_idx %arg13[%get3A_118] : memref<10240xf32, #tpu.memory_space<vmem>>[vector<16xi32>], vector<16xf32>,
      %get3A_120 = arith.index_cast %add3A_38 : i32 to index
      %get3A_121 = arith.constant 80 : index
      %get3A_122 = tpu.vector_load %arg15[%get3A_120, %get3A_121] {strides = array<i32>} : memref<80x128xi32, #tpu.memory_space<vmem>>, vector<16xi32>,
      %gather3A_123 = tpu.vector_load_idx %arg13[%get3A_122] : memref<10240xf32, #tpu.memory_space<vmem>>[vector<16xi32>], vector<16xf32>,
      %get3A_124 = arith.index_cast %add3A_38 : i32 to index
      %get3A_125 = arith.constant 80 : index
      %get3A_126 = tpu.vector_load %arg16[%get3A_124, %get3A_125] {strides = array<i32>} : memref<80x128xf32, #tpu.memory_space<vmem>>, vector<16xf32>,
      %mul3A_127 = arith.mulf %gather3A_119, %get3A_126 : vector<16xf32>
      %mul3A_128 = arith.mulf %mul3A_127, %gather3A_123 : vector<16xf32>
      %swap3A_129 = arith.index_cast %add3A_38 : i32 to index
      %swap3A_130 = arith.constant 80 : index
      %swap3A_131 = tpu.vector_load %arg17[%swap3A_129, %swap3A_130] {strides = array<i32>} : memref<80x128xf32, #tpu.memory_space<vmem>>, vector<16xf32>,
      tpu.vector_store %arg17[%swap3A_129, %swap3A_130], %mul3A_128 {strides = array<i32>} : memref<80x128xf32, #tpu.memory_space<vmem>>, vector<16xf32>,
      %get3A_132 = arith.index_cast %add3A_38 : i32 to index
      %get3A_133 = arith.constant 96 : index
      %get3A_134 = tpu.vector_load %arg14[%get3A_132, %get3A_133] {strides = array<i32>} : memref<80x128xi32, #tpu.memory_space<vmem>>, vector<16xi32>,
      %gather3A_135 = tpu.vector_load_idx %arg13[%get3A_134] : memref<10240xf32, #tpu.memory_space<vmem>>[vector<16xi32>], vector<16xf32>,
      %get3A_136 = arith.index_cast %add3A_38 : i32 to index
      %get3A_137 = arith.constant 96 : index
      %get3A_138 = tpu.vector_load %arg15[%get3A_136, %get3A_137] {strides = array<i32>} : memref<80x128xi32, #tpu.memory_space<vmem>>, vector<16xi32>,
      %gather3A_139 = tpu.vector_load_idx %arg13[%get3A_138] : memref<10240xf32, #tpu.memory_space<vmem>>[vector<16xi32>], vector<16xf32>,
      %get3A_140 = arith.index_cast %add3A_38 : i32 to index
      %get3A_141 = arith.constant 96 : index
      %get3A_142 = tpu.vector_load %arg16[%get3A_140, %get3A_141] {strides = array<i32>} : memref<80x128xf32, #tpu.memory_space<vmem>>, vector<16xf32>,
      %mul3A_143 = arith.mulf %gather3A_135, %get3A_142 : vector<16xf32>
      %mul3A_144 = arith.mulf %mul3A_143, %gather3A_139 : vector<16xf32>
      %swap3A_145 = arith.index_cast %add3A_38 : i32 to index
      %swap3A_146 = arith.constant 96 : index
      %swap3A_147 = tpu.vector_load %arg17[%swap3A_145, %swap3A_146] {strides = array<i32>} : memref<80x128xf32, #tpu.memory_space<vmem>>, vector<16xf32>,
      tpu.vector_store %arg17[%swap3A_145, %swap3A_146], %mul3A_144 {strides = array<i32>} : memref<80x128xf32, #tpu.memory_space<vmem>>, vector<16xf32>,
      %get3A_148 = arith.index_cast %add3A_38 : i32 to index
      %get3A_149 = arith.constant 112 : index
      %get3A_150 = tpu.vector_load %arg14[%get3A_148, %get3A_149] {strides = array<i32>} : memref<80x128xi32, #tpu.memory_space<vmem>>, vector<16xi32>,
      %gather3A_151 = tpu.vector_load_idx %arg13[%get3A_150] : memref<10240xf32, #tpu.memory_space<vmem>>[vector<16xi32>], vector<16xf32>,
      %get3A_152 = arith.index_cast %add3A_38 : i32 to index
      %get3A_153 = arith.constant 112 : index
      %get3A_154 = tpu.vector_load %arg15[%get3A_152, %get3A_153] {strides = array<i32>} : memref<80x128xi32, #tpu.memory_space<vmem>>, vector<16xi32>,
      %gather3A_155 = tpu.vector_load_idx %arg13[%get3A_154] : memref<10240xf32, #tpu.memory_space<vmem>>[vector<16xi32>], vector<16xf32>,
      %get3A_156 = arith.index_cast %add3A_38 : i32 to index
      %get3A_157 = arith.constant 112 : index
      %get3A_158 = tpu.vector_load %arg16[%get3A_156, %get3A_157] {strides = array<i32>} : memref<80x128xf32, #tpu.memory_space<vmem>>, vector<16xf32>,
      %mul3A_159 = arith.mulf %gather3A_151, %get3A_158 : vector<16xf32>
      %mul3A_160 = arith.mulf %mul3A_159, %gather3A_155 : vector<16xf32>
      %swap3A_161 = arith.index_cast %add3A_38 : i32 to index
      %swap3A_162 = arith.constant 112 : index
      %swap3A_163 = tpu.vector_load %arg17[%swap3A_161, %swap3A_162] {strides = array<i32>} : memref<80x128xf32, #tpu.memory_space<vmem>>, vector<16xf32>,
      tpu.vector_store %arg17[%swap3A_161, %swap3A_162], %mul3A_160 {strides = array<i32>} : memref<80x128xf32, #tpu.memory_space<vmem>>, vector<16xf32>,
    }
    %scan3A_33 = arith.constant 80 : i32
    "tpu.region"() ({
      %run_scoped3A = tpu.sem_alloc : memref<!tpu.dma_semaphore, #tpu.memory_space<semaphore_mem>>
      %dma_start3A = arith.constant 0 : i32
      %dma_start3A_34 = tpu.memref_slice %arg5[%mul3A_28, %dma_start3A] : memref<2560x128xf32, #tpu.memory_space<hbm>> -> memref<80x128xf32, #tpu.memory_space<hbm>>
      %dma_start3A_35 = arith.constant 0 : i32
      %dma_start3A_36 = tpu.memref_slice %arg5[%mul3A_28, %dma_start3A_35] : memref<2560x128xf32, #tpu.memory_space<hbm>> -> memref<80x128xf32, #tpu.memory_space<hbm>>
      tpu.enqueue_dma source(%arg17 : memref<80x128xf32, #tpu.memory_space<vmem>>) target(%dma_start3A_36 : memref<80x128xf32, #tpu.memory_space<hbm>>) target_semaphore(%run_scoped3A : memref<!tpu.dma_semaphore, #tpu.memory_space<semaphore_mem>>)
      %dma_wait3A = arith.constant 0 : i32
      %dma_wait3A_37 = tpu.memref_slice %arg5[%mul3A_28, %dma_wait3A] : memref<2560x128xf32, #tpu.memory_space<hbm>> -> memref<80x128xf32, #tpu.memory_space<hbm>>
      %dma_wait3A_38 = arith.constant 0 : i32
      %dma_wait3A_39 = tpu.memref_slice %arg5[%mul3A_28, %dma_wait3A_38] : memref<2560x128xf32, #tpu.memory_space<hbm>> -> memref<80x128xf32, #tpu.memory_space<hbm>>
      tpu.wait_dma2 semaphore(%run_scoped3A : memref<!tpu.dma_semaphore, #tpu.memory_space<semaphore_mem>>) src(%arg17 : memref<80x128xf32, #tpu.memory_space<vmem>>) dst(%dma_wait3A_39 : memref<80x128xf32, #tpu.memory_space<hbm>>)
      tpu.yield
    }) : () -> ()
    return
  }
}

</mosaic_0001>

<sc_bundles>
// kernel: _norm_sc.3.cloned.1.call-start
scs
__scs_entry_jumppad:
0x0: {  	(pc) =	sbr.rel $0x88, $3  }
0x1: {  	(tag) =	ssettag $0x0;
	lr =	simm.s32 $0x1  }
0x2: {  	[smem:$0x3F9E] =	sst lr;
	_ =	strace $0xD0000000  }
0x3: {  	_ = 	snop  }
0x4: {  	_ = 	snop  }
0x5: {  	_ = 	snop  }
0x6: {  	_ = 	snop  }
0x7: {  	_ = 	snop  }
__scs_overlays_trampoline_lowered:
0x8: {  	[smem:$0x3FAD] =	sst s0  }
0x9: {  	[smem:$0x3FAE] =	sst s1  }
0xa: {  	[smem:$0x3FAF] =	sst s2  }
0xb: {  	[smem:$0x3FB0] =	sst s3  }
0xc: {  	[smem:$0x3FB1] =	sst s4  }
0xd: {  	[smem:$0x3FB2] =	sst s5  }
0xe: {  	[smem:$0x3FB3] =	sst s6  }
0xf: {  	[smem:$0x3FB4] =	sst s7  }
0x10: {  	[smem:$0x3FB5] =	sst s8  }
0x11: {  	[smem:$0x3FB6] =	sst s9;
	s0 =	simm.s32 @!p0 $0x0  }
0x12: {  	s1 =	sld [smem:$0x3F9C];
	s0 =	simm.s32 @p0 $0x1  }
0x13: {  	[smem:$0x3FB7] =	sst s0;
	s0 =	simm.s32 @!p1 $0x0  }
0x14: {  	s2 =	sld [smem:$0x3F9B];
	s0 =	simm.s32 @p1 $0x1  }
0x15: {  	[smem:$0x3FB8] =	sst s0;
	s0 =	simm.s32 @!p2 $0x0  }
0x16: {  	s3 =	sld [smem:$0x3FDB];
	s0 =	simm.s32 @p2 $0x1  }
0x17: {  	s4 =	simm.s32 $0x1BF5;
	[smem:$0x3FBA] =	sst s0  }
0x18: {  	s0 =	sld [smem:$0x3F9D];
	_ =	swait.ge [sflag:s4], $0x0  }
0x19: {  	s7 =	sld [smem:$0x3F9E]  }
0x1a: {  	s8 =	sadd.s32 $0xFFFFE003, lr  }
0x1b: {  	s9 =	sadd.s32 $0xFFFFFEF7, lr;
	s5 =	simm.s32 $0xFFFFFFFF;
	p2 =	slt.u32 s8, $0xFFFFF086  }
0x1c: {  	p1 =	slt.u32 s9, $0xF7A;
	s5 =	simm.s32 @!p2 $0x0  }
0x1d: {  	s5 =	simm.s32 @p1 $0x1;
	p0 =	seq.s32 s7, s2  }
0x1e: {  	s7 =	smul.u32 @!p0 $0xF7A, s2;
	p2 =	seq.s32 @!p0 s5, $0x0  }
0x1f: {  	s9 =	smul.u32 $0xF7A, s1;
	s8 =	simm.s32 @!p0 $0x1BF5;
	p2 =	por !p2, p0  }
0x20: {  	[sflag:s8] =	ssyncset.s32 @!p0 $0xFFFFF086;
	s6 =	sadd.s32 @!p0 s3, s7;
	s7 =	simm.s32 @!p0 $0x108  }
0x21: {  	s3 =	sadd.s32 s3, s9;
	s6 =	sadd.s32 @!p0 $0x88, s6;
	s7 =	simm.s32 @p2 $0x1082  }
0x22: {  	[simem:s7], [sflag:s8] =	dma.local @!p0 [hbm:s6], $0xF7A  }
0x23: {  	s9 =	sor.u32 $0xD0000000, s2;
	s6 =	simm.s32 $0x108;
	_ =	swait.ge @!p0 [sflag:s8], $0x0  }
0x24: {  	s3 =	sadd.s32 $0x88, s3;
	s6 =	simm.s32 @!p1 $0x1082;
	[sflag:s4] =	ssyncset.s32 $0xFFFFF086  }
0x25: {  	[simem:s6], [sflag:s4] =	dma.local [hbm:s3], $0xF7A  }
0x26: {  	[smem:$0x3F9E] =	sst s1;
	(tag) =	ssettag s2;
	_ =	strace s9  }
0x27: {  	s1 =	sld [smem:$0x3FAE]  }
0x28: {  	s2 =	sld [smem:$0x3FAF]  }
0x29: {  	s4 =	sld [smem:$0x3FB1]  }
0x2a: {  	p0 =	seq.s32 s5, $0x0;
	s5 =	sld [smem:$0x3FB2]  }
0x2b: {  	s6 =	sld [smem:$0x3FB3]  }
0x2c: {  	s7 =	sld [smem:$0x3FB4]  }
0x2d: {  	s3 =	simm.s32 $0x108;
	s8 =	sld [smem:$0x3FB5]  }
0x2e: {  	s3 =	simm.s32 @!p0 $0x1082;
	s9 =	sld [smem:$0x3FB6]  }
0x2f: {  	lr =	sadd.s32 s0, s3;
	s0 =	sld [smem:$0x3FAD]  }
0x30: {  	s3 =	sld [smem:$0x3FB0]  }
0x31: {  	[smem:$0x3FB9] =	sst s10  }
0x32: {  	s10 =	sld [smem:$0x3FB7];
	_ =	sdelay $0x3  }
0x33: {  	p0 =	seq.s32 s10, $0x1;
	s10 =	sld [smem:$0x3FB9];
	_ =	sdelay $0x3  }
0x34: {  	[smem:$0x3FB9] =	sst s10  }
0x35: {  	s10 =	sld [smem:$0x3FB8];
	_ =	sdelay $0x3  }
0x36: {  	p1 =	seq.s32 s10, $0x1;
	s10 =	sld [smem:$0x3FB9];
	_ =	sdelay $0x3  }
0x37: {  	[smem:$0x3FB9] =	sst s10  }
0x38: {  	s10 =	sld [smem:$0x3FBA]  }
0x39: {  	_ = 	snop;
	(pc) =	sbr.ind lr, $3  }
0x3a: {  	_ = 	snop  }
0x3b: {  	_ = 	snop  }
0x3c: {  	p2 =	seq.s32 s10, $0x1;
	s10 =	sld [smem:$0x3FB9]  }
0x3d: {  	_ =	shalt  }
0x3e: {  	_ =	shalt  }
0x3f: {  	_ =	shalt  }
0x40: {  	_ =	shalt  }
0x41: {  	_ =	shalt  }
0x42: {  	_ =	shalt  }
0x43: {  	_ =	shalt  }
0x44: {  	_ =	shalt  }
0x45: {  	_ =	shalt  }
0x46: {  	_ =	shalt  }
0x47: {  	_ =	shalt  }
0x48: {  	_ =	shalt  }
0x49: {  	_ =	shalt  }
0x4a: {  	_ =	shalt  }
0x4b: {  	_ =	shalt  }
0x4c: {  	_ =	shalt  }
0x4d: {  	_ =	shalt  }
0x4e: {  	_ =	shalt  }
0x4f: {  	_ =	shalt  }
0x50: {  	_ =	shalt  }
0x51: {  	_ =	shalt  }
0x52: {  	_ =	shalt  }
0x53: {  	_ =	shalt  }
0x54: {  	_ =	shalt  }
0x55: {  	_ =	shalt  }
0x56: {  	_ =	shalt  }
0x57: {  	_ =	shalt  }
0x58: {  	_ =	shalt  }
0x59: {  	_ =	shalt  }
0x5a: {  	_ =	shalt  }
0x5b: {  	_ =	shalt  }
0x5c: {  	_ =	shalt  }
0x5d: {  	_ =	shalt  }
0x5e: {  	_ =	shalt  }
0x5f: {  	_ =	shalt  }
0x60: {  	_ =	shalt  }
0x61: {  	_ =	shalt  }
0x62: {  	_ =	shalt  }
0x63: {  	_ =	shalt  }
0x64: {  	_ =	shalt  }
0x65: {  	_ =	shalt  }
0x66: {  	_ =	shalt  }
0x67: {  	_ =	shalt  }
0x68: {  	_ =	shalt  }
0x69: {  	_ =	shalt  }
0x6a: {  	_ =	shalt  }
0x6b: {  	_ =	shalt  }
0x6c: {  	_ =	shalt  }
0x6d: {  	_ =	shalt  }
0x6e: {  	_ =	shalt  }
0x6f: {  	_ =	shalt  }
0x70: {  	_ =	shalt  }
0x71: {  	_ =	shalt  }
0x72: {  	_ =	shalt  }
0x73: {  	_ =	shalt  }
0x74: {  	_ =	shalt  }
0x75: {  	_ =	shalt  }
0x76: {  	_ =	shalt  }
0x77: {  	_ =	shalt  }
0x78: {  	_ =	shalt  }
0x79: {  	_ =	shalt  }
0x7a: {  	_ =	shalt  }
0x7b: {  	_ =	shalt  }
0x7c: {  	_ =	shalt  }
0x7d: {  	_ =	shalt  }
0x7e: {  	_ =	shalt  }
0x7f: {  	_ =	shalt  }
0x80: {  	_ =	shalt  }
0x81: {  	_ =	shalt  }
0x82: {  	_ =	shalt  }
0x83: {  	_ =	shalt  }
0x84: {  	_ =	shalt  }
0x85: {  	_ =	shalt  }
0x86: {  	_ =	shalt  }
0x87: {  	_ =	shalt  }
.Lfunc_end0:
.L_simem_size_0:
called_computation_lowered:
.L_overlay_start_0:
0x88: {  	s2 =	sld [smem:$0x3FD9]  }
0x89: {  	s3 =	sld [smem:$0x3FFE];
	_ =	sdelay $0x1  }
0x8a: {  	s1 =	srdreg.scid  }
0x8b: {  	s0 =	sand.u32 $0x1, s1  }
0x8c: {  	s18 =	sshll.u32 s0, $0xA;
	s2 =	sadd.s32 s3, s2  }
0x8d: {  	s2 =	sadd.s32 s2, s18  }
0x8e: {  	[smem:$0x3FC5] =	sst s2  }
0x8f: {  	_ = 	snop  }
0x90: {  	s2 =	sld [smem:$0x3FC9]  }
0x91: {  	s19 =	sld [smem:$0x3FC8]  }
0x92: {  	s4 =	sld [smem:$0x3FC7]  }
0x93: {  	s5 =	sld [smem:$0x3FD0];
	(tm) =	ssettm $0x1  }
0x94: {  	s6 =	sld [smem:$0x3FFB];
	_ =	sdelay $0x3  }
0x95: {  	_ =	strace s6  }
0x96: {  	s6 =	sld [smem:$0x3FFC];
	_ =	sdelay $0x3  }
0x97: {  	_ =	strace s6  }
0x98: {  	s6 =	sld [smem:$0x3FFD];
	_ =	sdelay $0x3  }
0x99: {  	_ =	strace s6  }
0x9a: {  	_ =	strace $0x8FFFFFFF  }
0x9b: {  	s20 =	sld [smem:$0x3FDB];
	_ =	sdelay $0x1  }
0x9c: {  	s7 =	simm.s32 $_scs_section_size  }
0x9d: {  	s8 =	simm.s32 $_size__tile_overlayer_lowered;
	s9 =	simm.s32 $_tile_overlayer_lowered  }
0x9e: {  	s23 =	simm.s32 $0x1BFF;
	s22 =	sshll.u32 s9, $0x1;
	s6 =	sadd.s32 s7, s20  }
0x9f: {  	s10 =	simm.s32 $0x0;
	s21 =	sshll.u32 s8, $0x1;
	s8 =	sadd.s32 s22, s6  }
0xa0: {  	[timem:s10], [sflag:s23] =	dma.local [hbm:s8], s21  }
0xa1: {  	_ =	swait.ge [sflag:s23], s21  }
0xa2: {  	s7 =	ssub.s32 $0x0, s21;
	[sflag:s23] =	ssyncset.done $0x0  }
0xa3: {  	[sflag:s23] =	ssyncadd.s32 s7;
	_ =	sdelay $0x1  }
0xa4: {  	s24 =	simm.s32 $0x1B8B  }
0xa5: {  	_ =	swait.ge [sflag:s24], $0x1  }
0xa6: {  	[sflag:s24] =	ssyncset.done $0x0  }
0xa7: {  	s25 =	simm.s32 $0x1B8E;
	[sflag:s24] =	ssyncadd.s32 $0xFFFFFFFF  }
0xa8: {  	s26 =	simm.s32 $execute0_lowered;
	[smem:$0x3FD2] =	sst s25  }
0xa9: {  	s7 =	sshll.u32 s26, $0x1;
	_ =	strace $0x80000046;
	[dreg:$0x1] =	wrdreg $0xFFFFFFFF  }
0xaa: {  	s28 =	simm.s32 $_size_execute0_lowered;
	s6 =	sadd.s32 s6, s7;
	[dreg:$0x0] =	wrdreg $0x0  }
0xab: {  	s7 =	sshll.u32 s28, $0x1;
	[dreg:$0x2] =	wrdreg s6  }
0xac: {  	[dreg:$0x3] =	wrdreg s7  }
0xad: {  	[dreg:$0x4] =	wrdreg $0xC0  }
0xae: {  	_ =	task [dreg:s10], $0x5FFFF  }
0xaf: {  	[dreg:$0x1] =	wrdreg $0xFFFFFFFF  }
0xb0: {  	[dreg:$0x0] =	wrdreg $0x60  }
0xb1: {  	[dreg:$0x2] =	wrdreg s2  }
0xb2: {  	[dreg:$0x3] =	wrdreg s19  }
0xb3: {  	[dreg:$0x4] =	wrdreg s4  }
0xb4: {  	[dreg:$0x5] =	wrdreg s5  }
0xb5: {  	[dreg:$0x6] =	wrdreg $0x0  }
0xb6: {  	[dreg:$0x7] =	wrdreg $0x2800  }
0xb7: {  	[dreg:$0x8] =	wrdreg $0x9  }
0xb8: {  	_ =	task.clear_ibuf [dreg:s10], $0x9FFFF;
	_ =	strace $0x90000046  }
0xb9: {  	s29 =	simm.s32 $0x9;
	_ =	strace $0x80000048  }
0xba: {  	_ =	swait.ge [sflag:s29], $0x1  }
0xbb: {  	[sflag:s29] =	ssyncadd.s32 $0xFFFFFFFF  }
0xbc: {  	_ =	strace $0x90000048  }
0xbd: {  	_ =	sfence  }
0xbe: {  	s30 =	sld [smem:$0x0];
	_ =	sdelay $0x2  }
0xbf: {  	s31 =	sshll.u32 s1, $0xD;
	s1 =	sshrl.u32 s1, $0x2  }
0xc0: {  	s3 =	sand.u32 $0x4000, s31;
	s1 =	sadd.s32 s1, s30  }
0xc1: {  	s0 =	sor.u32 s3, s0;
	s1 =	sshll.u32 s1, $0x11  }
0xc2: {  	s0 =	sor.u32 s1, s0  }
0xc3: {  	s0 =	sadd.s32 $0x8F2B, s0  }
0xc4: {  	[sflag:s0] =	ssyncadd.remote.s32 $0x1  }
0xc5: {  	_ =	sfence.sel $0xFFFF  }
0xc6: {  	[dreg:$0x0] =	wrdreg $0xFFFFFFFF;
	(pc) =	sbr.abs _section_cstart, $3  }
0xc7: {  	[dreg:$0x1] =	wrdreg $0xFFFFFFFF  }
0xc8: {  	_ =	task.clear_ibuf [dreg:s10], $0x2FFFF;
	_ =	strace $0x9FFFFFFF  }
0xc9: {  	(tm) =	ssettm $0x7FFFFFFF  }
tec
execute0_lowered:
.L_overlay_start_1:
0x0: {  	(tag) =	ssettag $0x1  }
0x1: {  	s0 =	rddreg [dreg:$0x0]  }
0x2: {  	s3 =	rddreg [dreg:$0x1]  }
0x3: {  	s11 =	rddreg [dreg:$0x2]  }
0x4: {  	s12 =	rddreg [dreg:$0x3]  }
0x5: {  	s1 =	rddreg [dreg:$0x4]  }
0x6: {  	s2 =	rddreg [dreg:$0x5]  }
0x7: {  	s4 =	simm.s32 $0x0;
	s5 =	srdreg.scid;
	s10 =	stileid.u32  }
0x8: {  	s15 =	simm.s32 $0x1;
	s16 =	simm.s32 $0x500;
	s17 =	simm.s32 $0x5500  }
0x9: {  	s18 =	simm.s32 $0x80;
	s19 =	simm.s32 $0xA780;
	s20 =	simm.s32 $0xAA00  }
0xa: {  	s21 =	simm.s32 $0xAC80;
	s22 =	simm.s32 $0xD480;
	s23 =	simm.s32 $0xFC80  }
0xb: {  	s24 =	simm.s32 $0x12480;
	s25 =	simm.s32 $0x14C80;
	s26 =	simm.s32 $0x0  }
0xc: {  	[smem:$0x7FF] =	sst s4;
	s5 =	sand.u32 $0x1, s5;
	s8 =	smul.u32 $0x280, s10  }
0xd: {  	s7 =	sshll.u32 s10, $0x1;
	s10 =	smul.u32 $0xA00, s10;
	s6 =	ssub.s32 $0x2, s5  }
0xe: {  	_ =	strace $0x80000047;
	s7 =	sor.u32 s5, s7;
	s9 =	sshrl.u32 s6, $0x1  }
0xf: {  	s5 =	sadd.s32 s8, s1;
	s14 =	smul.u32 $0x500, s7;
	s7 =	sadd.s32 s11, s10  }
0x10: {  	s8 =	sadd.s32 s8, s2;
	s13 =	ssub.s32 s6, s9;
	s6 =	sadd.s32 s3, s10  }
0x11: {  	s9 =	sadd.s32 s0, s14;
	s10 =	sadd.s32 s3, s14;
	s11 =	sadd.s32 s11, s14  }
0x12: {  	v0 =	vimm.f32 $0.0e+00;
	s12 =	sadd.s32 s12, s14;
	s13 =	smax.u32 s13, $0x1;
	s14 =	simm.s32 $0xA500  }
.LBB2_1:
0x13: {  	[tilespmem:$0xA500] =	vst v0  }
0x14: {  	[tilespmem:$0xA510] =	vst v0  }
0x15: {  	[tilespmem:$0xA520] =	vst v0  }
0x16: {  	[tilespmem:$0xA530] =	vst v0  }
0x17: {  	[tilespmem:$0xA540] =	vst v0  }
0x18: {  	[tilespmem:$0xA550] =	vst v0  }
0x19: {  	[tilespmem:$0xA560] =	vst v0  }
0x1a: {  	[tilespmem:$0xA570] =	vst v0  }
0x1b: {  	[tilespmem:$0xA580] =	vst v0  }
0x1c: {  	[tilespmem:$0xA590] =	vst v0  }
0x1d: {  	[tilespmem:$0xA5A0] =	vst v0  }
0x1e: {  	[tilespmem:$0xA5B0] =	vst v0  }
0x1f: {  	[tilespmem:$0xA5C0] =	vst v0  }
0x20: {  	[tilespmem:$0xA5D0] =	vst v0  }
0x21: {  	[tilespmem:$0xA5E0] =	vst v0  }
0x22: {  	[tilespmem:$0xA5F0] =	vst v0  }
0x23: {  	[tilespmem:$0xA600] =	vst v0  }
0x24: {  	[tilespmem:$0xA610] =	vst v0  }
0x25: {  	[tilespmem:$0xA620] =	vst v0  }
0x26: {  	[tilespmem:$0xA630] =	vst v0  }
0x27: {  	[tilespmem:$0xA640] =	vst v0  }
0x28: {  	[tilespmem:$0xA650] =	vst v0  }
0x29: {  	[tilespmem:$0xA660] =	vst v0  }
0x2a: {  	[tilespmem:$0xA670] =	vst v0  }
0x2b: {  	[tilespmem:$0xA680] =	vst v0  }
0x2c: {  	[tilespmem:$0xA690] =	vst v0  }
0x2d: {  	[tilespmem:$0xA6A0] =	vst v0  }
0x2e: {  	[tilespmem:$0xA6B0] =	vst v0  }
0x2f: {  	[tilespmem:$0xA6C0] =	vst v0  }
0x30: {  	[tilespmem:$0xA6D0] =	vst v0  }
0x31: {  	[tilespmem:$0xA6E0] =	vst v0  }
0x32: {  	[tilespmem:$0xA6F0] =	vst v0  }
0x33: {  	[tilespmem:$0xA700] =	vst v0  }
0x34: {  	[tilespmem:$0xA710] =	vst v0  }
0x35: {  	[tilespmem:$0xA720] =	vst v0  }
0x36: {  	[tilespmem:$0xA730] =	vst v0  }
0x37: {  	[tilespmem:$0xA740] =	vst v0  }
0x38: {  	[tilespmem:$0xA750] =	vst v0  }
0x39: {  	[tilespmem:$0xA760] =	vst v0  }
0x3a: {  	[tilespmem:$0xA770] =	vst v0  }
0x3b: {  	[spmem:s5] =	stream.linear.scatter [tilespmem:s14], [sflag:$0x1], $0x280, $0x38;
	[tilespmem:$0x17480] =	vst v63  }
0x3c: {  	_ =	swait.ge [sflag:s15], $0x280  }
0x3d: {  	[sflag:s15] =	ssyncset.done $0x0  }
0x3e: {  	[sflag:s15] =	ssyncadd.s32 $0xFFFFFD80  }
0x3f: {  	[bflag:$0x0] =	sbarrier.arrive $0xFFFF  }
0x40: {  	[tilespmem:s16], [sflag:$0x1] =	stream.linear.gather [hbm4b:s6+s4], $0x5000, $0x38;
	[tilespmem:$0x17480] =	vst v63  }
0x41: {  	_ =	swait.ge [sflag:s15], $0x5000  }
0x42: {  	[sflag:s15] =	ssyncset.done $0x0  }
0x43: {  	[sflag:s15] =	ssyncadd.s32 $0xFFFFB000  }
0x44: {  	[tilespmem:s17], [sflag:$0x1] =	stream.linear.gather [hbm4b:s7+s4], $0x5000, $0x38;
	[tilespmem:$0x17480] =	vst v63  }
0x45: {  	_ =	swait.ge [sflag:s15], $0x5000  }
0x46: {  	[sflag:s15] =	ssyncset.done $0x0  }
0x47: {  	s0 =	simm.s32 $0x5500;
	s3 =	simm.s32 $0x500;
	[sflag:s15] =	ssyncadd.s32 $0xFFFFB000  }
0x48: {  	[spmem:s1] =	stream.indirect.scatter.add.f32 [tilespmem:s0], [sflag:$0x1], $0x1, s3, s18, $0xb8;
	[tilespmem:$0x17480] =	vst v63  }
0x49: {  	s0 =	simm.s32 $0x200;
	_ =	swait.ge [sflag:s15], $0x80  }
.LBB2_2:
0x4a: {  	s3 =	sshra.s32 s0, $0x2  }
0x4b: {  	[sflag:s15] =	ssyncset.done $0x0;
	p0 =	sne.s32 s0, $0x13E00;
	s28 =	sadd.s32 $0x5500, s3  }
.Ltmp0:
0x4c: {  	s3 =	sadd.s32 $0x500, s3;
	[sflag:s15] =	ssyncadd.s32 $0xFFFFFF80;
	(pc) =	sbr.rel @p0 .LBB2_2-.Ltmp0, $3  }
0x4d: {  	[spmem:s1] =	stream.indirect.scatter.add.f32 [tilespmem:s28], [sflag:$0x1], $0x1, s3, s18, $0xb8;
	[tilespmem:$0x17480] =	vst v63  }
0x4e: {  	s0 =	sadd.s32 $0x200, s0;
	_ =	sdelay $0x1  }
0x4f: {  	_ =	swait.ge [sflag:s15], $0x80  }
0x50: {  	[sflag:s15] =	ssyncset.done $0x0  }
0x51: {  	[sflag:s15] =	ssyncadd.s32 $0xFFFFFF80  }
0x52: {  	[bflag:$0x0] =	sbarrier.arrive $0xFFFF  }
0x53: {  	[tilespmem:s19], [sflag:$0x1] =	stream.linear.gather [spmem:s5], $0x280, $0x38;
	[tilespmem:$0x17480] =	vst v63  }
0x54: {  	_ =	swait.ge [sflag:s15], $0x280  }
0x55: {  	[sflag:s15] =	ssyncset.done $0x0  }
0x56: {  	s30 =	simm.s32 $0x0;
	[sflag:s15] =	ssyncadd.s32 $0xFFFFFD80  }
0x57: {  	v2 =	vld [tilespmem:s30+$0xA780];
	_ =	sdelay $0x3  }
0x58: {  	s28 =	simm.s32 $0x10  }
0x59: {  	v1 =	vld [tilespmem:s28+$0xA780];
	v3 =	vshra.s32 v2, $0x1;
	v6 =	vmul.f32 $5.000000000e-01, v2  }
0x5a: {  	v4 =	vsub.s32 $0x5F3759DF, v3  }
0x5b: {  	v3 =	vmul.f32 v4, v6;
	_ =	sdelay $0x1  }
0x5c: {  	v7 =	vmul.f32 v4, v3  }
0x5d: {  	v8 =	vshra.s32 v1, $0x1;
	v5 =	vmul.f32 $5.000000000e-01, v1  }
0x5e: {  	s29 =	simm.s32 $0x20;
	v8 =	vsub.s32 $0x5F3759DF, v8;
	v7 =	vsub.f32 $1.500000000e+00, v7  }
0x5f: {  	v9 =	vmul.f32 v8, v5;
	v3 =	vld [tilespmem:s29+$0xA780]  }
0x60: {  	v7 =	vmul.f32 v4, v7  }
0x61: {  	v10 =	vmul.f32 v8, v9  }
0x62: {  	v11 =	vmul.f32 v7, v6  }
0x63: {  	v10 =	vsub.f32 $1.500000000e+00, v10  }
0x64: {  	v12 =	vshra.s32 v3, $0x1;
	v9 =	vmul.f32 $5.000000000e-01, v3;
	v11 =	vmul.f32 v11, v7  }
0x65: {  	s31 =	simm.s32 $0x30;
	v13 =	vsub.s32 $0x5F3759DF, v12  }
0x66: {  	v4 =	vld [tilespmem:s31+$0xA780];
	v10 =	vmul.f32 v8, v10;
	v12 =	vmul.f32 v13, v9;
	v8 =	vsub.f32 $1.500000000e+00, v11;
	_ =	sdelay $0x1  }
0x67: {  	v11 =	vmul.f32 v13, v12;
	v7 =	vmul.f32 v8, v7  }
0x68: {  	v12 =	vmul.f32 v10, v5  }
0x69: {  	v11 =	vsub.f32 $1.500000000e+00, v11;
	v6 =	vmul.f32 v7, v6  }
0x6a: {  	s0 =	simm.s32 $0x40;
	v14 =	vshra.s32 v4, $0x1;
	v8 =	vmul.f32 $5.000000000e-01, v4;
	v15 =	vmul.f32 v12, v10  }
0x6b: {  	v12 =	vsub.s32 $0x5F3759DF, v14;
	v11 =	vmul.f32 v13, v11;
	v13 =	vmul.f32 v6, v7;
	v6 =	vld [tilespmem:s0+$0xA780]  }
0x6c: {  	v16 =	vmul.f32 v12, v8;
	_ =	sdelay $0x1  }
0x6d: {  	s3 =	simm.s32 $0x140;
	v14 =	vsub.f32 $1.500000000e+00, v15;
	v16 =	vmul.f32 v12, v16;
	v15 =	vmul.f32 v11, v9  }
.LBB2_4:
0x6e: {  	s2 =	smov.u32 s31  }
0x6f: {  	v17 =	vshra.s32 v6, $0x1;
	v14 =	vmul.f32 v14, v10;
	v13 =	vsub.f32 $1.500000000e+00, v13;
	v18 =	vmovc v6;
	v19 =	vmovc v12;
	s31 =	smov.u32 s0;
	s0 =	sshra.s32 s3, $0x2;
	p0 =	sne.s32 s3, $0x9C0  }
.Ltmp1:
0x70: {  	v10 =	vmovc v11;
	v6 =	vld [tilespmem:s0+$0xA780];
	v20 =	vmul.f32 $5.000000000e-01, v18;
	v16 =	vsub.f32 $1.500000000e+00, v16;
	v15 =	vmul.f32 v15, v11;
	(pc) =	sbr.rel @p0 .LBB2_4-.Ltmp1, $4  }
0x71: {  	s3 =	sadd.s32 $0x40, s3;
	v12 =	vsub.s32 $0x5F3759DF, v17;
	v17 =	vmul.f32 v14, v5;
	v21 =	vmul.f32 v13, v7;
	v7 =	vmovc v14;
	v5 =	vmovc v9  }
0x72: {  	vm0 =	vgt.f32 v2, $0.0e+00;
	v2 =	vmovc v1;
	v1 =	vmovc v3;
	v22 =	vmul.f32 v12, v20;
	v11 =	vmul.f32 v19, v16  }
0x73: {  	v3 =	vmovc v4;
	v4 =	vmovc v18;
	v14 =	vsub.f32 $1.500000000e+00, v15;
	v13 =	vmul.f32 v17, v7;
	v17 =	vnsel vm0, $0x0, v21  }
0x74: {  	v9 =	vmovc v8;
	v16 =	vmul.f32 v12, v22;
	v15 =	vmul.f32 v11, v8;
	[tilespmem:s30+$0xAA00] =	vst v17;
	v8 =	vmov v20;
	s30 =	smov.u32 s28;
	s28 =	smov.u32 s29;
	s29 =	smov.u32 s2  }
0x75: {  	v17 =	vshra.s32 v6, $0x1;
	v18 =	vmul.f32 $5.000000000e-01, v6  }
0x76: {  	v17 =	vsub.s32 $0x5F3759DF, v17  }
0x77: {  	v19 =	vmul.f32 v17, v18;
	_ =	sdelay $0x1  }
0x78: {  	v19 =	vmul.f32 v17, v19  }
0x79: {  	v16 =	vsub.f32 $1.500000000e+00, v16  }
0x7a: {  	v19 =	vsub.f32 $1.500000000e+00, v19  }
0x7b: {  	v12 =	vmul.f32 v12, v16  }
0x7c: {  	v56 =	vmul.f32 v17, v19  }
0x7d: {  	v57 =	vmul.f32 v12, v8  }
0x7e: {  	v15 =	vmul.f32 v15, v11;
	v19 =	vmul.f32 v56, v18  }
0x7f: {  	v17 =	vmul.f32 v57, v12  }
0x80: {  	v15 =	vsub.f32 $1.500000000e+00, v15;
	v19 =	vmul.f32 v19, v56  }
0x81: {  	v10 =	vmul.f32 v14, v10;
	v58 =	vsub.f32 $1.500000000e+00, v17  }
0x82: {  	v59 =	vmul.f32 v15, v11;
	v60 =	vsub.f32 $1.500000000e+00, v19  }
0x83: {  	v5 =	vmul.f32 v10, v5;
	v12 =	vmul.f32 v58, v12  }
0x84: {  	v9 =	vmul.f32 v59, v9;
	v61 =	vmul.f32 v60, v56  }
0x85: {  	v5 =	vmul.f32 v5, v10;
	v62 =	vmul.f32 v12, v8  }
0x86: {  	v13 =	vsub.f32 $1.500000000e+00, v13;
	v9 =	vmul.f32 v9, v59;
	v15 =	vmul.f32 v61, v18  }
0x87: {  	vm0 =	vgt.f32 v2, $0.0e+00;
	v5 =	vsub.f32 $1.500000000e+00, v5;
	v8 =	vmul.f32 v62, v12  }
0x88: {  	v7 =	vmul.f32 v13, v7;
	v2 =	vsub.f32 $1.500000000e+00, v9;
	v63 =	vmul.f32 v15, v61  }
0x89: {  	vm12 =	vgt.f32 v1, $0.0e+00;
	v5 =	vmul.f32 v5, v10;
	v8 =	vsub.f32 $1.500000000e+00, v8  }
0x8a: {  	v7 =	vnsel vm0, $0x0, v7;
	v1 =	vmul.f32 v2, v59;
	v2 =	vsub.f32 $1.500000000e+00, v63  }
0x8b: {  	vm13 =	vgt.f32 v3, $0.0e+00;
	[tilespmem:s30+$0xAA00] =	vst v7;
	v5 =	vnsel vm12, $0x0, v5;
	v3 =	vmul.f32 v8, v12  }
0x8c: {  	vm14 =	vgt.f32 v4, $0.0e+00;
	[tilespmem:s28+$0xAA00] =	vst v5;
	v1 =	vnsel vm13, $0x0, v1;
	v2 =	vmul.f32 v2, v61  }
0x8d: {  	vm15 =	vgt.f32 v6, $0.0e+00;
	[tilespmem:s29+$0xAA00] =	vst v1;
	v1 =	vnsel vm14, $0x0, v3  }
0x8e: {  	[tilespmem:s31+$0xAA00] =	vst v1;
	v1 =	vnsel vm15, $0x0, v2  }
0x8f: {  	[tilespmem:s0+$0xAA00] =	vst v1  }
0x90: {  	[spmem:s8] =	stream.linear.scatter [tilespmem:s20], [sflag:$0x1], $0x280, $0x38;
	[tilespmem:$0x17480] =	vst v63  }
0x91: {  	_ =	swait.ge [sflag:s15], $0x280  }
0x92: {  	[sflag:s15] =	ssyncset.done $0x0  }
0x93: {  	[sflag:s15] =	ssyncadd.s32 $0xFFFFFD80  }
0x94: {  	[bflag:$0x0] =	sbarrier.arrive $0xFFFF  }
0x95: {  	s30 =	rddreg [dreg:$0x5]  }
0x96: {  	[tilespmem:s21], [sflag:$0x1] =	stream.linear.gather [spmem:s30], $0x2800, $0x38;
	[tilespmem:$0x17480] =	vst v63  }
0x97: {  	_ =	swait.ge [sflag:s15], $0x2800  }
0x98: {  	[sflag:s15] =	ssyncset.done $0x0  }
0x99: {  	s31 =	simm.s32 $0x0;
	[sflag:s15] =	ssyncadd.s32 $0xFFFFD800  }
0x9a: {  	[tilespmem:s22], [sflag:$0x1] =	stream.linear.gather [hbm4b:s9+s31], $0x2800, $0x38;
	[tilespmem:$0x17480] =	vst v63  }
0x9b: {  	_ =	swait.ge [sflag:s15], $0x2800  }
0x9c: {  	[sflag:s15] =	ssyncset.done $0x0  }
0x9d: {  	[sflag:s15] =	ssyncadd.s32 $0xFFFFD800  }
0x9e: {  	[tilespmem:s23], [sflag:$0x1] =	stream.linear.gather [hbm4b:s10+s31], $0x2800, $0x38;
	[tilespmem:$0x17480] =	vst v63  }
0x9f: {  	_ =	swait.ge [sflag:s15], $0x2800  }
0xa0: {  	[sflag:s15] =	ssyncset.done $0x0  }
0xa1: {  	[sflag:s15] =	ssyncadd.s32 $0xFFFFD800  }
0xa2: {  	[tilespmem:s24], [sflag:$0x1] =	stream.linear.gather [hbm4b:s11+s31], $0x2800, $0x38;
	[tilespmem:$0x17480] =	vst v63  }
0xa3: {  	_ =	swait.ge [sflag:s15], $0x2800  }
0xa4: {  	[sflag:s15] =	ssyncset.done $0x0  }
0xa5: {  	s28 =	simm.s32 $0x0;
	[sflag:s15] =	ssyncadd.s32 $0xFFFFD800  }
0xa6: {  	v1 =	vld [tilespmem:s28+$0xD480];
	_ =	sdelay $0x1  }
0xa7: {  	v2 =	vld [tilespmem:s28+$0xFC80];
	_ =	sdelay $0x4  }
0xa8: {  	v3 =	vld [tilespmem:s28+$0x12480]  }
0xa9: {  	v1 =	vld.idx.msk [tilespmem:v1+s21+$0x0], $0xffff  }
0xaa: {  	v4 =	vld [tilespmem:s28+$0xD490]  }
0xab: {  	v2 =	vld.idx.msk [tilespmem:v2+s21+$0x0], $0xffff  }
0xac: {  	v5 =	vld [tilespmem:s28+$0xFC90];
	_ =	sdelay $0x1  }
0xad: {  	v1 =	vmul.f32 v3, v1;
	_ =	sdelay $0x1  }
0xae: {  	v1 =	vmul.f32 v1, v2;
	_ =	sdelay $0x1  }
0xaf: {  	v2 =	vld [tilespmem:s28+$0x12490];
	[tilespmem:s28+$0x14C80] =	vst v1  }
0xb0: {  	v1 =	vld.idx.msk [tilespmem:v4+s21+$0x0], $0xffff  }
0xb1: {  	v3 =	vld.idx.msk [tilespmem:v5+s21+$0x0], $0xffff  }
0xb2: {  	v4 =	vld [tilespmem:s28+$0xD4A0]  }
0xb3: {  	v5 =	vld [tilespmem:s28+$0xFCA0];
	_ =	sdelay $0x1  }
0xb4: {  	v1 =	vmul.f32 v2, v1;
	_ =	sdelay $0x1  }
0xb5: {  	v1 =	vmul.f32 v1, v3;
	_ =	sdelay $0x1  }
0xb6: {  	v2 =	vld [tilespmem:s28+$0x124A0];
	[tilespmem:s28+$0x14C90] =	vst v1  }
0xb7: {  	v1 =	vld.idx.msk [tilespmem:v4+s21+$0x0], $0xffff  }
0xb8: {  	v3 =	vld.idx.msk [tilespmem:v5+s21+$0x0], $0xffff  }
0xb9: {  	v4 =	vld [tilespmem:s28+$0xD4B0]  }
0xba: {  	v5 =	vld [tilespmem:s28+$0xFCB0];
	_ =	sdelay $0x1  }
0xbb: {  	v1 =	vmul.f32 v2, v1;
	_ =	sdelay $0x1  }
0xbc: {  	v1 =	vmul.f32 v1, v3;
	_ =	sdelay $0x1  }
0xbd: {  	v2 =	vld [tilespmem:s28+$0x124B0];
	[tilespmem:s28+$0x14CA0] =	vst v1  }
0xbe: {  	v1 =	vld.idx.msk [tilespmem:v4+s21+$0x0], $0xffff  }
0xbf: {  	v3 =	vld.idx.msk [tilespmem:v5+s21+$0x0], $0xffff  }
0xc0: {  	v4 =	vld [tilespmem:s28+$0xD4C0]  }
0xc1: {  	v5 =	vld [tilespmem:s28+$0xFCC0];
	_ =	sdelay $0x1  }
0xc2: {  	v1 =	vmul.f32 v2, v1;
	_ =	sdelay $0x1  }
0xc3: {  	v1 =	vmul.f32 v1, v3;
	_ =	sdelay $0x1  }
0xc4: {  	v2 =	vld [tilespmem:s28+$0x124C0];
	[tilespmem:s28+$0x14CB0] =	vst v1  }
0xc5: {  	v1 =	vld.idx.msk [tilespmem:v4+s21+$0x0], $0xffff  }
0xc6: {  	v3 =	vld.idx.msk [tilespmem:v5+s21+$0x0], $0xffff  }
0xc7: {  	v4 =	vld [tilespmem:s28+$0xD4D0]  }
0xc8: {  	v5 =	vld [tilespmem:s28+$0xFCD0];
	_ =	sdelay $0x1  }
0xc9: {  	v1 =	vmul.f32 v2, v1;
	_ =	sdelay $0x1  }
0xca: {  	v1 =	vmul.f32 v1, v3;
	_ =	sdelay $0x1  }
0xcb: {  	[tilespmem:s28+$0x14CC0] =	vst v1;
	v1 =	vld [tilespmem:s28+$0x124D0]  }
0xcc: {  	v2 =	vld.idx.msk [tilespmem:v4+s21+$0x0], $0xffff  }
0xcd: {  	v3 =	vld.idx.msk [tilespmem:v5+s21+$0x0], $0xffff  }
0xce: {  	v4 =	vld [tilespmem:s28+$0xD4E0]  }
0xcf: {  	v5 =	vld [tilespmem:s28+$0xFCE0];
	_ =	sdelay $0x1  }
0xd0: {  	v1 =	vmul.f32 v1, v2;
	_ =	sdelay $0x1  }
0xd1: {  	v1 =	vmul.f32 v1, v3;
	_ =	sdelay $0x1  }
0xd2: {  	[tilespmem:s28+$0x14CD0] =	vst v1;
	v1 =	vld [tilespmem:s28+$0x124E0]  }
0xd3: {  	v2 =	vld.idx.msk [tilespmem:v4+s21+$0x0], $0xffff  }
0xd4: {  	v3 =	vld.idx.msk [tilespmem:v5+s21+$0x0], $0xffff  }
0xd5: {  	v4 =	vld [tilespmem:s28+$0xD4F0];
	_ =	sdelay $0x2  }
0xd6: {  	v1 =	vmul.f32 v1, v2  }
0xd7: {  	v5 =	vld [tilespmem:s28+$0xFCF0]  }
0xd8: {  	v1 =	vmul.f32 v1, v3;
	_ =	sdelay $0x1  }
0xd9: {  	[tilespmem:s28+$0x14CE0] =	vst v1;
	v1 =	vld [tilespmem:s28+$0x124F0]  }
0xda: {  	v2 =	vld.idx.msk [tilespmem:v4+s21+$0x0], $0xffff;
	_ =	sdelay $0x3  }
0xdb: {  	s0 =	simm.s32 $0x80;
	v3 =	vld.idx.msk [tilespmem:v5+s21+$0x0], $0xffff  }
0xdc: {  	v4 =	vmul.f32 v1, v2;
	v2 =	vld [tilespmem:s0+$0xD480];
	_ =	sdelay $0x1  }
0xdd: {  	v1 =	vld [tilespmem:s0+$0xFC80];
	_ =	sdelay $0x2  }
0xde: {  	s29 =	simm.s32 $0x400;
	v3 =	vmul.f32 v4, v3  }
.LBB2_6:
0xdf: {  	_ = 	snop  }
0xe0: {  	p0 =	sne.s32 s29, $0x9E00;
	s30 =	smov.u32 s29;
	s29 =	sadd.s32 $0x200, s29;
	[tilespmem:s28+$0x14CF0] =	vst v3  }
0xe1: {  	s28 =	smov.u32 s0;
	v2 =	vld.idx.msk [tilespmem:v2+s21+$0x0], $0xffff  }
0xe2: {  	v3 =	vld [tilespmem:s28+$0x12480]  }
0xe3: {  	v1 =	vld.idx.msk [tilespmem:v1+s21+$0x0], $0xffff  }
0xe4: {  	v4 =	vld [tilespmem:s28+$0xD490];
	_ =	sdelay $0x1  }
0xe5: {  	v5 =	vld [tilespmem:s28+$0xFC90]  }
0xe6: {  	v2 =	vmul.f32 v3, v2;
	_ =	sdelay $0x1  }
0xe7: {  	v1 =	vmul.f32 v2, v1;
	_ =	sdelay $0x1  }
0xe8: {  	[tilespmem:s28+$0x14C80] =	vst v1  }
0xe9: {  	v1 =	vld.idx.msk [tilespmem:v4+s21+$0x0], $0xffff  }
0xea: {  	v2 =	vld [tilespmem:s28+$0x12490]  }
0xeb: {  	v3 =	vld.idx.msk [tilespmem:v5+s21+$0x0], $0xffff  }
0xec: {  	v4 =	vld [tilespmem:s28+$0xD4A0];
	_ =	sdelay $0x1  }
0xed: {  	v5 =	vld [tilespmem:s28+$0xFCA0]  }
0xee: {  	v1 =	vmul.f32 v2, v1;
	_ =	sdelay $0x1  }
0xef: {  	v1 =	vmul.f32 v1, v3;
	_ =	sdelay $0x1  }
0xf0: {  	[tilespmem:s28+$0x14C90] =	vst v1  }
0xf1: {  	v1 =	vld.idx.msk [tilespmem:v4+s21+$0x0], $0xffff  }
0xf2: {  	v2 =	vld [tilespmem:s28+$0x124A0]  }
0xf3: {  	v3 =	vld.idx.msk [tilespmem:v5+s21+$0x0], $0xffff  }
0xf4: {  	v4 =	vld [tilespmem:s28+$0xD4B0];
	_ =	sdelay $0x1  }
0xf5: {  	v5 =	vld [tilespmem:s28+$0xFCB0]  }
0xf6: {  	v1 =	vmul.f32 v2, v1;
	_ =	sdelay $0x1  }
0xf7: {  	v1 =	vmul.f32 v1, v3;
	_ =	sdelay $0x1  }
0xf8: {  	[tilespmem:s28+$0x14CA0] =	vst v1  }
0xf9: {  	v1 =	vld.idx.msk [tilespmem:v4+s21+$0x0], $0xffff  }
0xfa: {  	v2 =	vld [tilespmem:s28+$0x124B0]  }
0xfb: {  	v3 =	vld.idx.msk [tilespmem:v5+s21+$0x0], $0xffff  }
0xfc: {  	v4 =	vld [tilespmem:s28+$0xD4C0];
	_ =	sdelay $0x1  }
0xfd: {  	v5 =	vld [tilespmem:s28+$0xFCC0]  }
0xfe: {  	v1 =	vmul.f32 v2, v1;
	_ =	sdelay $0x1  }
0xff: {  	v1 =	vmul.f32 v1, v3;
	_ =	sdelay $0x1  }
0x100: {  	[tilespmem:s28+$0x14CB0] =	vst v1  }
0x101: {  	v1 =	vld.idx.msk [tilespmem:v4+s21+$0x0], $0xffff  }
0x102: {  	v2 =	vld [tilespmem:s28+$0x124C0]  }
0x103: {  	v3 =	vld.idx.msk [tilespmem:v5+s21+$0x0], $0xffff  }
0x104: {  	v4 =	vld [tilespmem:s28+$0xD4D0]  }
0x105: {  	v5 =	vld [tilespmem:s28+$0xFCD0];
	_ =	sdelay $0x1  }
0x106: {  	v1 =	vmul.f32 v2, v1;
	_ =	sdelay $0x1  }
0x107: {  	v1 =	vmul.f32 v1, v3;
	_ =	sdelay $0x1  }
0x108: {  	[tilespmem:s28+$0x14CC0] =	vst v1;
	v1 =	vld [tilespmem:s28+$0x124D0]  }
0x109: {  	v2 =	vld.idx.msk [tilespmem:v4+s21+$0x0], $0xffff  }
0x10a: {  	v3 =	vld.idx.msk [tilespmem:v5+s21+$0x0], $0xffff;
	_ =	sdelay $0x1  }
0x10b: {  	v4 =	vld [tilespmem:s28+$0xD4E0]  }
0x10c: {  	v5 =	vld [tilespmem:s28+$0xFCE0];
	_ =	sdelay $0x1  }
0x10d: {  	v1 =	vmul.f32 v1, v2;
	_ =	sdelay $0x1  }
0x10e: {  	v1 =	vmul.f32 v1, v3;
	_ =	sdelay $0x1  }
0x10f: {  	[tilespmem:s28+$0x14CD0] =	vst v1;
	v1 =	vld [tilespmem:s28+$0x124E0]  }
0x110: {  	v2 =	vld.idx.msk [tilespmem:v4+s21+$0x0], $0xffff  }
0x111: {  	v3 =	vld.idx.msk [tilespmem:v5+s21+$0x0], $0xffff;
	_ =	sdelay $0x1  }
0x112: {  	v4 =	vld [tilespmem:s28+$0xD4F0]  }
0x113: {  	v5 =	vld [tilespmem:s28+$0xFCF0];
	_ =	sdelay $0x1  }
0x114: {  	v1 =	vmul.f32 v1, v2;
	_ =	sdelay $0x1  }
0x115: {  	v1 =	vmul.f32 v1, v3;
	_ =	sdelay $0x1  }
0x116: {  	[tilespmem:s28+$0x14CE0] =	vst v1;
	v3 =	vld [tilespmem:s28+$0x124F0]  }
0x117: {  	v4 =	vld.idx.msk [tilespmem:v4+s21+$0x0], $0xffff  }
0x118: {  	v5 =	vld.idx.msk [tilespmem:v5+s21+$0x0], $0xffff  }
0x119: {  	s0 =	sshra.s32 s30, $0x2  }
0x11a: {  	v2 =	vld [tilespmem:s0+$0xD480]  }
.Ltmp2:
0x11b: {  	v1 =	vld [tilespmem:s0+$0xFC80];
	(pc) =	sbr.rel @p0 .LBB2_6-.Ltmp2, $3  }
0x11c: {  	_ = 	snop  }
0x11d: {  	v3 =	vmul.f32 v3, v4;
	_ =	sdelay $0x1  }
0x11e: {  	v3 =	vmul.f32 v3, v5  }
0x11f: {  	_ =	sdelay $0x2  }
0x120: {  	[tilespmem:s28+$0x14CF0] =	vst v3  }
0x121: {  	v2 =	vld.idx.msk [tilespmem:v2+s21+$0x0], $0xffff  }
0x122: {  	v3 =	vld [tilespmem:s0+$0x12480]  }
0x123: {  	v1 =	vld.idx.msk [tilespmem:v1+s21+$0x0], $0xffff  }
0x124: {  	v4 =	vld [tilespmem:s0+$0xD490];
	_ =	sdelay $0x1  }
0x125: {  	v5 =	vld [tilespmem:s0+$0xFC90]  }
0x126: {  	v2 =	vmul.f32 v3, v2;
	_ =	sdelay $0x1  }
0x127: {  	v1 =	vmul.f32 v2, v1;
	_ =	sdelay $0x1  }
0x128: {  	v2 =	vld [tilespmem:s0+$0x12490];
	[tilespmem:s0+$0x14C80] =	vst v1  }
0x129: {  	v1 =	vld.idx.msk [tilespmem:v4+s21+$0x0], $0xffff  }
0x12a: {  	v52 =	vld [tilespmem:s0+$0xD4A0]  }
0x12b: {  	v3 =	vld.idx.msk [tilespmem:v5+s21+$0x0], $0xffff;
	_ =	sdelay $0x1  }
0x12c: {  	v53 =	vld [tilespmem:s0+$0xFCA0]  }
0x12d: {  	v1 =	vmul.f32 v2, v1;
	_ =	sdelay $0x1  }
0x12e: {  	v1 =	vmul.f32 v1, v3;
	_ =	sdelay $0x1  }
0x12f: {  	v2 =	vld [tilespmem:s0+$0x124A0];
	[tilespmem:s0+$0x14C90] =	vst v1  }
0x130: {  	v1 =	vld.idx.msk [tilespmem:v52+s21+$0x0], $0xffff  }
0x131: {  	v54 =	vld [tilespmem:s0+$0xD4B0]  }
0x132: {  	v3 =	vld.idx.msk [tilespmem:v53+s21+$0x0], $0xffff;
	_ =	sdelay $0x1  }
0x133: {  	v55 =	vld [tilespmem:s0+$0xFCB0]  }
0x134: {  	v1 =	vmul.f32 v2, v1;
	_ =	sdelay $0x1  }
0x135: {  	v1 =	vmul.f32 v1, v3;
	_ =	sdelay $0x1  }
0x136: {  	v2 =	vld [tilespmem:s0+$0x124B0];
	[tilespmem:s0+$0x14CA0] =	vst v1  }
0x137: {  	v1 =	vld.idx.msk [tilespmem:v54+s21+$0x0], $0xffff  }
0x138: {  	v56 =	vld [tilespmem:s0+$0xD4C0]  }
0x139: {  	v3 =	vld.idx.msk [tilespmem:v55+s21+$0x0], $0xffff;
	_ =	sdelay $0x1  }
0x13a: {  	v57 =	vld [tilespmem:s0+$0xFCC0]  }
0x13b: {  	v1 =	vmul.f32 v2, v1;
	_ =	sdelay $0x1  }
0x13c: {  	v1 =	vmul.f32 v1, v3;
	_ =	sdelay $0x1  }
0x13d: {  	v2 =	vld [tilespmem:s0+$0x124C0];
	[tilespmem:s0+$0x14CB0] =	vst v1  }
0x13e: {  	v1 =	vld.idx.msk [tilespmem:v56+s21+$0x0], $0xffff  }
0x13f: {  	v58 =	vld [tilespmem:s0+$0xD4D0]  }
0x140: {  	v3 =	vld.idx.msk [tilespmem:v57+s21+$0x0], $0xffff;
	_ =	sdelay $0x1  }
0x141: {  	v59 =	vld [tilespmem:s0+$0xFCD0]  }
0x142: {  	v1 =	vmul.f32 v2, v1;
	_ =	sdelay $0x1  }
0x143: {  	v1 =	vmul.f32 v1, v3;
	_ =	sdelay $0x1  }
0x144: {  	[tilespmem:s0+$0x14CC0] =	vst v1;
	v1 =	vld [tilespmem:s0+$0x124D0]  }
0x145: {  	v2 =	vld.idx.msk [tilespmem:v58+s21+$0x0], $0xffff  }
0x146: {  	v60 =	vld [tilespmem:s0+$0xD4E0]  }
0x147: {  	v3 =	vld.idx.msk [tilespmem:v59+s21+$0x0], $0xffff;
	_ =	sdelay $0x1  }
0x148: {  	v61 =	vld [tilespmem:s0+$0xFCE0]  }
0x149: {  	v1 =	vmul.f32 v1, v2;
	_ =	sdelay $0x1  }
0x14a: {  	v1 =	vmul.f32 v1, v3;
	_ =	sdelay $0x1  }
0x14b: {  	[tilespmem:s0+$0x14CD0] =	vst v1;
	v1 =	vld [tilespmem:s0+$0x124E0]  }
0x14c: {  	v2 =	vld.idx.msk [tilespmem:v60+s21+$0x0], $0xffff  }
0x14d: {  	v62 =	vld [tilespmem:s0+$0xD4F0]  }
0x14e: {  	v3 =	vld.idx.msk [tilespmem:v61+s21+$0x0], $0xffff;
	_ =	sdelay $0x1  }
0x14f: {  	v63 =	vld [tilespmem:s0+$0xFCF0]  }
0x150: {  	v1 =	vmul.f32 v1, v2;
	_ =	sdelay $0x1  }
0x151: {  	v1 =	vmul.f32 v1, v3;
	_ =	sdelay $0x1  }
0x152: {  	[tilespmem:s0+$0x14CE0] =	vst v1;
	v1 =	vld [tilespmem:s0+$0x124F0]  }
0x153: {  	v2 =	vld.idx.msk [tilespmem:v62+s21+$0x0], $0xffff;
	_ =	sdelay $0x1  }
0x154: {  	v3 =	vld.idx.msk [tilespmem:v63+s21+$0x0], $0xffff;
	_ =	sdelay $0x2  }
0x155: {  	v1 =	vmul.f32 v1, v2;
	_ =	sdelay $0x1  }
0x156: {  	s26 =	sadd.s32 $0x1, s26;
	v1 =	vmul.f32 v1, v3  }
0x157: {  	p0 =	sne.s32 s26, s13  }
.Ltmp3:
0x158: {  	[tilespmem:s0+$0x14CF0] =	vst v1;
	(pc) =	sbr.rel @p0 .LBB2_1-.Ltmp3, $4  }
0x159: {  	[hbm4b:s12+s4] =	stream.linear.scatter [tilespmem:s25], [sflag:$0x1], $0x2800, $0x38;
	[tilespmem:$0x17480] =	vst v63  }
0x15a: {  	_ =	swait.ge [sflag:s15], $0x2800  }
0x15b: {  	[sflag:s15] =	ssyncset.done $0x0  }
0x15c: {  	[sflag:s15] =	ssyncadd.s32 $0xFFFFD800  }
0x15d: {  	_ =	sfence.sel $0x180000  }
0x15e: {  	[bflag:$0x0] =	sbarrier.arrive $0xFFFF  }
0x15f: {  	_ =	strace $0x90000047  }
0x160: {  	s0 =	stileid.u32;
	[bflag:$0x2] =	sbarrier.arrive $0xFFFF  }
0x161: {  	p0 =	sne.s32 s0, $0x0;
	s0 =	rddreg [dreg:$0x6]  }
0x162: {  	s0 =	sadd.s32 @!p0 $0x100000, s0  }
0x163: {  	[sflag:s0] =	ssyncadd.tile.s32 @!p0 $0x1;
	_ =	shalt  }
.Lfunc_end2:
_tile_overlayer_lowered:
.L_overlay_start_2:
0x164: {  	(tag) =	ssettag $0x2  }
0x165: {  	s0 =	rddreg [dreg:$0x0];
	s2 =	stileid.u32  }
0x166: {  	s1 =	rddreg [dreg:$0x1];
	p0 =	sne.s32 s2, $0x0  }
0x167: {  	s3 =	rddreg [dreg:$0x2];
	[bflag:$0x3] =	sbarrier.arrive $0xFFFF;
	s2 =	simm.s32 @!p0 $0x1C01  }
0x168: {  	[timem:s3], [sflag:s2] =	dma.local @!p0 [hbm:s0], s1  }
0x169: {  	s0 =	simm.s32 @!p0 $0x1  }
0x16a: {  	_ =	swait.ge @!p0 [sflag:s0], s1  }
0x16b: {  	s1 =	ssub.s32 @!p0 $0x0, s1;
	[sflag:s0] =	ssyncset.done @!p0 $0x0  }
0x16c: {  	[sflag:s0] =	ssyncadd.s32 @!p0 s1  }
0x16d: {  	[bflag:$0x3] =	sbarrier.arrive $0xFFFF  }
0x16e: {  	_ =	shalt  }

</sc_bundles>
